<compile_context>
chip_gen: v7x
topology: tpu7x:2x2x1
jax: 0.10.2.dev20260603
libtpu: 0.0.44.dev20260713+nightly
codegen_flags: <defaults>
</compile_context>

<pallas_src>
import functools

import jax
import jax.numpy as jnp
from jax import lax
from jax.experimental import pallas as pl
from jax.experimental.pallas import tpu as pltpu
from jax.experimental.pallas import tpu_sc as plsc

NC, NS = 2, 16
NW = NC * NS
B, S, E = 16384, 200, 64
HID, NCLS = 128, 1000
G0 = 128
G1 = S - G0
CH = 128
NBUF = 4
B_PER_W = B // NW


def _sc_embed_sum(inputs, table):
    mesh = plsc.VectorSubcoreMesh(core_axis_name="c", subcore_axis_name="s")

    @functools.partial(
        pl.kernel,
        out_type=jax.ShapeDtypeStruct((B, E), jnp.float32),
        mesh=mesh,
        scratch_types=[
            pltpu.VMEM((CH, S), jnp.int32),
            [pltpu.VMEM((S, E), jnp.float32) for _ in range(NBUF)],
            pltpu.VMEM((CH, E), jnp.float32),
            [pltpu.SemaphoreType.DMA for _ in range(NBUF)],
        ],
        compiler_params=pltpu.CompilerParams(use_tc_tiling_on_sc=False),
    )
    def k(table_hbm, idx_hbm, out_hbm, idx_v, bufs, out_v, sems):
        wid = lax.axis_index("s") * NC + lax.axis_index("c")
        base = wid * B_PER_W

        def issue(i, buf, sem):
            pltpu.async_copy(
                table_hbm.at[idx_v.at[i, pl.ds(0, G0)]],
                buf.at[pl.ds(0, G0)], sem)
            pltpu.async_copy(
                table_hbm.at[idx_v.at[i, pl.ds(G0, G1)]],
                buf.at[pl.ds(G0, G1)], sem)

        def drain(buf, sem):
            pltpu.make_async_copy(table_hbm.at[pl.ds(0, S)], buf, sem).wait()

        def accum(buf, i):
            z = jnp.zeros((16,), jnp.float32)

            def body(r, acc):
                return tuple(
                    acc[j] + buf[r, 16 * j:16 * (j + 1)] for j in range(4))

            acc = lax.fori_loop(0, S, body, (z, z, z, z), unroll=4)
            for j in range(4):
                out_v[i, 16 * j:16 * (j + 1)] = acc[j]

        @pl.loop(0, B_PER_W, step=CH)
        def _(r0):
            pltpu.sync_copy(idx_hbm.at[pl.ds(base + r0, CH)], idx_v)
            for b in range(NBUF):
                issue(b, bufs[b], sems[b])

            @pl.loop(0, CH, step=NBUF)
            def _(i):
                for b in range(NBUF):
                    drain(bufs[b], sems[b])

                    @pl.when(i + NBUF + b < CH)
                    def _():
                        issue(i + NBUF + b, bufs[b], sems[b])

                    accum(bufs[b], i + b)

            pltpu.sync_copy(out_v, out_hbm.at[pl.ds(base + r0, CH)])

    return k(table, inputs)


def _tc_mlp(summed, W1, b1, W2, b2):
    BLK = 1024

    def body(x_ref, w1_ref, b1_ref, w2_ref, b2_ref, o_ref):
        x = jnp.tanh(x_ref[...])
        h = lax.dot_general(
            x, w1_ref[...], (((1,), (1,)), ((), ())),
            preferred_element_type=jnp.float32,
            precision=lax.Precision.HIGHEST)
        h = jnp.tanh(h + b1_ref[...])
        o = lax.dot_general(
            h, w2_ref[...], (((1,), (1,)), ((), ())),
            preferred_element_type=jnp.float32,
            precision=lax.Precision.HIGHEST)
        o_ref[...] = jnp.tanh(o + b2_ref[...])

    return pl.pallas_call(
        body,
        grid=(B // BLK,),
        in_specs=[
            pl.BlockSpec((BLK, E), lambda i: (i, 0)),
            pl.BlockSpec((HID, E), lambda i: (0, 0)),
            pl.BlockSpec((1, HID), lambda i: (0, 0)),
            pl.BlockSpec((NCLS, HID), lambda i: (0, 0)),
            pl.BlockSpec((1, NCLS), lambda i: (0, 0)),
        ],
        out_specs=pl.BlockSpec((BLK, NCLS), lambda i: (i, 0)),
        out_shape=jax.ShapeDtypeStruct((B, NCLS), jnp.float32),
    )(summed, W1, b1.reshape(1, HID), W2, b2.reshape(1, NCLS))


def kernel(inputs, table, W1, b1, W2, b2):
    summed = _sc_embed_sum(inputs, table)
    return _tc_mlp(summed, W1, b1, W2, b2)

# --- scband reference (transcript-rebuilt; emitter-appended) ---
"""Pipeline reference for scband-bo-wmodel-33732673143211 (READ-ONLY COPY).

The authoritative reference and input builder live on the scoring server;
editing this copy changes nothing except your own understanding.
"""

import jax, jax.numpy as jnp
import numpy as np

VOCAB = 1000000
EMB = 64
HIDDEN = 128
NUM_CLASSES = 1000
BATCH = 16384
SEQ = 200


def setup_inputs(seed: int = 0) -> dict:
    key = jax.random.key(seed)
    k1, k2, k3, k4, k5, k6 = jax.random.split(key, 6)
    inputs = jax.random.randint(k1, (BATCH, SEQ), 0, VOCAB, dtype=jnp.int32)
    table = jax.random.normal(k2, (VOCAB, EMB), dtype=jnp.float32)
    # padding_idx=0 row is zero-initialized in torch nn.Embedding
    table = table.at[0].set(0.0)
    lim1 = 1.0 / np.sqrt(EMB)
    W1 = jax.random.uniform(k3, (HIDDEN, EMB), jnp.float32, -lim1, lim1)
    b1 = jax.random.uniform(k4, (HIDDEN,), jnp.float32, -lim1, lim1)
    lim2 = 1.0 / np.sqrt(HIDDEN)
    W2 = jax.random.uniform(k5, (NUM_CLASSES, HIDDEN), jnp.float32, -lim2, lim2)
    b2 = jax.random.uniform(k6, (NUM_CLASSES,), jnp.float32, -lim2, lim2)
    return {"inputs": inputs, "table": table, "W1": W1, "b1": b1, "W2": W2, "b2": b2}


def reference(inputs, table, W1, b1, W2, b2):
    # embedding lookup
    embedded = jnp.take(table, inputs, axis=0)  # [B, L, E]
    # bag-of-words sum over time dim
    summed = jnp.sum(embedded, axis=1)  # [B, E]
    encoded = jnp.tanh(summed)
    h = jnp.tanh(encoded @ W1.T + b1)
    out = jnp.tanh(h @ W2.T + b2)
    return out

if __name__ == "__main__":
    import jax
    _d = setup_inputs()
    print(jax.jit(kernel)(*tuple(_d.values())))

</pallas_src>

<mosaic_0001>
#map = affine_map<(d0, d1) -> (0, 0)>
module attributes {stable_mosaic.version = 14 : i64} {
  func.func @k(%arg0: i32, %arg1: i32, %arg2: memref<1000000x64xf32, #tpu.memory_space<hbm>>, %arg3: memref<16384x200xi32, #tpu.memory_space<hbm>>, %arg4: memref<16384x64xf32, #tpu.memory_space<hbm>>, %arg5: memref<128x200xi32, #tpu.memory_space<vmem>>, %arg6: memref<200x64xf32, #tpu.memory_space<vmem>>, %arg7: memref<200x64xf32, #tpu.memory_space<vmem>>, %arg8: memref<200x64xf32, #tpu.memory_space<vmem>>, %arg9: memref<200x64xf32, #tpu.memory_space<vmem>>, %arg10: memref<128x64xf32, #tpu.memory_space<vmem>>, %arg11: memref<!tpu.dma_semaphore, #tpu.memory_space<semaphore_mem>>, %arg12: memref<!tpu.dma_semaphore, #tpu.memory_space<semaphore_mem>>, %arg13: memref<!tpu.dma_semaphore, #tpu.memory_space<semaphore_mem>>, %arg14: memref<!tpu.dma_semaphore, #tpu.memory_space<semaphore_mem>>) attributes {dimension_semantics = [#tpu.dimension_semantics<core_parallel>, #tpu.dimension_semantics<subcore_parallel>], iteration_bounds = array<i64: 2, 16>, scalar_prefetch = 0 : i64, scratch_operands = 10 : i64, tpu.core_type = #tpu.core_type<sc_vector_subcore>, window_params = [{transform_indices = #map}, {transform_indices = #map}, {transform_indices = #map}]} {
    %mul3A = arith.constant 2 : i32
    %mul3A_0 = arith.muli %arg1, %mul3A : i32
    %add3A = arith.addi %mul3A_0, %arg0 : i32
    %mul3A_1 = arith.constant 512 : i32
    %mul3A_2 = arith.muli %add3A, %mul3A_1 : i32
    %scan3A = arith.constant 0 : i32
    %scan3A_3 = arith.constant 4 : i32
    %scan3A_4 = arith.addi %scan3A, %scan3A_3 : i32
    %scan3A_5 = arith.constant 1 : i32
    scf.for %scan3A_7 = %scan3A to %scan3A_4 step %scan3A_5  : i32 {
      %mul3A_8 = arith.constant 128 : i32
      %mul3A_9 = arith.muli %scan3A_7, %mul3A_8 : i32
      %add3A_10 = arith.constant 0 : i32
      %add3A_11 = arith.addi %add3A_10, %mul3A_9 : i32
      %add3A_12 = arith.addi %mul3A_2, %add3A_11 : i32
      "tpu.region"() ({
        %run_scoped3A = tpu.sem_alloc : memref<!tpu.dma_semaphore, #tpu.memory_space<semaphore_mem>>
        %dma_start3A_98 = arith.constant 0 : i32
        %dma_start3A_99 = tpu.memref_slice %arg3[%add3A_12, %dma_start3A_98] : memref<16384x200xi32, #tpu.memory_space<hbm>> -> memref<128x200xi32, #tpu.memory_space<hbm>>
        %dma_start3A_100 = arith.constant 0 : i32
        %dma_start3A_101 = tpu.memref_slice %arg3[%add3A_12, %dma_start3A_100] : memref<16384x200xi32, #tpu.memory_space<hbm>> -> memref<128x200xi32, #tpu.memory_space<hbm>>
        tpu.enqueue_dma source(%dma_start3A_101 : memref<128x200xi32, #tpu.memory_space<hbm>>) target(%arg5 : memref<128x200xi32, #tpu.memory_space<vmem>>) target_semaphore(%run_scoped3A : memref<!tpu.dma_semaphore, #tpu.memory_space<semaphore_mem>>)
        %dma_wait3A = arith.constant 0 : i32
        %dma_wait3A_102 = tpu.memref_slice %arg3[%add3A_12, %dma_wait3A] : memref<16384x200xi32, #tpu.memory_space<hbm>> -> memref<128x200xi32, #tpu.memory_space<hbm>>
        %dma_wait3A_103 = arith.constant 0 : i32
        %dma_wait3A_104 = tpu.memref_slice %arg3[%add3A_12, %dma_wait3A_103] : memref<16384x200xi32, #tpu.memory_space<hbm>> -> memref<128x200xi32, #tpu.memory_space<hbm>>
        tpu.wait_dma2 semaphore(%run_scoped3A : memref<!tpu.dma_semaphore, #tpu.memory_space<semaphore_mem>>) src(%dma_wait3A_104 : memref<128x200xi32, #tpu.memory_space<hbm>>) dst(%arg5 : memref<128x200xi32, #tpu.memory_space<vmem>>)
        tpu.yield
      }) : () -> ()
      %dma_start3A = arith.constant 0 : i32
      %dma_start3A_13 = arith.constant 0 : i32
      %dma_start3A_14 = arith.constant 0 : i32
      %dma_start3A_15 = tpu.memref_slice %arg6[%dma_start3A_13, %dma_start3A_14] : memref<200x64xf32, #tpu.memory_space<vmem>> -> memref<128x64xf32, #tpu.memory_space<vmem>>
      %dma_start3A_16 = arith.constant 0 : i32
      %dma_start3A_17 = tpu.memref_slice %arg5[%dma_start3A, %dma_start3A_16] : memref<128x200xi32, #tpu.memory_space<vmem>> -> memref<1x128xi32, #tpu.memory_space<vmem>>
      %dma_start3A_18 = tpu.memref_squeeze %dma_start3A_17 : memref<1x128xi32, #tpu.memory_space<vmem>> -> memref<128xi32, #tpu.memory_space<vmem>>
      %dma_start3A_19 = arith.constant 0 : i32
      %dma_start3A_20 = arith.constant 0 : i32
      %dma_start3A_21 = tpu.memref_slice %arg2[%dma_start3A_19, %dma_start3A_20] : memref<1000000x64xf32, #tpu.memory_space<hbm>> -> memref<1000000x64xf32, #tpu.memory_space<hbm>>
      tpu.enqueue_indirect_dma source(%dma_start3A_21 : memref<1000000x64xf32, #tpu.memory_space<hbm>>) target(%dma_start3A_15 : memref<128x64xf32, #tpu.memory_space<vmem>>) offsets(%dma_start3A_18 : memref<128xi32, #tpu.memory_space<vmem>>) semaphore(%arg11 : memref<!tpu.dma_semaphore, #tpu.memory_space<semaphore_mem>>)
      %dma_start3A_22 = arith.constant 0 : i32
      %dma_start3A_23 = arith.constant 128 : i32
      %dma_start3A_24 = arith.constant 0 : i32
      %dma_start3A_25 = tpu.memref_slice %arg6[%dma_start3A_23, %dma_start3A_24] : memref<200x64xf32, #tpu.memory_space<vmem>> -> memref<72x64xf32, #tpu.memory_space<vmem>>
      %dma_start3A_26 = arith.constant 128 : i32
      %dma_start3A_27 = tpu.memref_slice %arg5[%dma_start3A_22, %dma_start3A_26] : memref<128x200xi32, #tpu.memory_space<vmem>> -> memref<1x72xi32, #tpu.memory_space<vmem>>
      %dma_start3A_28 = tpu.memref_squeeze %dma_start3A_27 : memref<1x72xi32, #tpu.memory_space<vmem>> -> memref<72xi32, #tpu.memory_space<vmem>>
      %dma_start3A_29 = arith.constant 0 : i32
      %dma_start3A_30 = arith.constant 0 : i32
      %dma_start3A_31 = tpu.memref_slice %arg2[%dma_start3A_29, %dma_start3A_30] : memref<1000000x64xf32, #tpu.memory_space<hbm>> -> memref<1000000x64xf32, #tpu.memory_space<hbm>>
      tpu.enqueue_indirect_dma source(%dma_start3A_31 : memref<1000000x64xf32, #tpu.memory_space<hbm>>) target(%dma_start3A_25 : memref<72x64xf32, #tpu.memory_space<vmem>>) offsets(%dma_start3A_28 : memref<72xi32, #tpu.memory_space<vmem>>) semaphore(%arg11 : memref<!tpu.dma_semaphore, #tpu.memory_space<semaphore_mem>>)
      %dma_start3A_32 = arith.constant 1 : i32
      %dma_start3A_33 = arith.constant 0 : i32
      %dma_start3A_34 = arith.constant 0 : i32
      %dma_start3A_35 = tpu.memref_slice %arg7[%dma_start3A_33, %dma_start3A_34] : memref<200x64xf32, #tpu.memory_space<vmem>> -> memref<128x64xf32, #tpu.memory_space<vmem>>
      %dma_start3A_36 = arith.constant 0 : i32
      %dma_start3A_37 = tpu.memref_slice %arg5[%dma_start3A_32, %dma_start3A_36] : memref<128x200xi32, #tpu.memory_space<vmem>> -> memref<1x128xi32, #tpu.memory_space<vmem>>
      %dma_start3A_38 = tpu.memref_squeeze %dma_start3A_37 : memref<1x128xi32, #tpu.memory_space<vmem>> -> memref<128xi32, #tpu.memory_space<vmem>>
      %dma_start3A_39 = arith.constant 0 : i32
      %dma_start3A_40 = arith.constant 0 : i32
      %dma_start3A_41 = tpu.memref_slice %arg2[%dma_start3A_39, %dma_start3A_40] : memref<1000000x64xf32, #tpu.memory_space<hbm>> -> memref<1000000x64xf32, #tpu.memory_space<hbm>>
      tpu.enqueue_indirect_dma source(%dma_start3A_41 : memref<1000000x64xf32, #tpu.memory_space<hbm>>) target(%dma_start3A_35 : memref<128x64xf32, #tpu.memory_space<vmem>>) offsets(%dma_start3A_38 : memref<128xi32, #tpu.memory_space<vmem>>) semaphore(%arg12 : memref<!tpu.dma_semaphore, #tpu.memory_space<semaphore_mem>>)
      %dma_start3A_42 = arith.constant 1 : i32
      %dma_start3A_43 = arith.constant 128 : i32
      %dma_start3A_44 = arith.constant 0 : i32
      %dma_start3A_45 = tpu.memref_slice %arg7[%dma_start3A_43, %dma_start3A_44] : memref<200x64xf32, #tpu.memory_space<vmem>> -> memref<72x64xf32, #tpu.memory_space<vmem>>
      %dma_start3A_46 = arith.constant 128 : i32
      %dma_start3A_47 = tpu.memref_slice %arg5[%dma_start3A_42, %dma_start3A_46] : memref<128x200xi32, #tpu.memory_space<vmem>> -> memref<1x72xi32, #tpu.memory_space<vmem>>
      %dma_start3A_48 = tpu.memref_squeeze %dma_start3A_47 : memref<1x72xi32, #tpu.memory_space<vmem>> -> memref<72xi32, #tpu.memory_space<vmem>>
      %dma_start3A_49 = arith.constant 0 : i32
      %dma_start3A_50 = arith.constant 0 : i32
      %dma_start3A_51 = tpu.memref_slice %arg2[%dma_start3A_49, %dma_start3A_50] : memref<1000000x64xf32, #tpu.memory_space<hbm>> -> memref<1000000x64xf32, #tpu.memory_space<hbm>>
      tpu.enqueue_indirect_dma source(%dma_start3A_51 : memref<1000000x64xf32, #tpu.memory_space<hbm>>) target(%dma_start3A_45 : memref<72x64xf32, #tpu.memory_space<vmem>>) offsets(%dma_start3A_48 : memref<72xi32, #tpu.memory_space<vmem>>) semaphore(%arg12 : memref<!tpu.dma_semaphore, #tpu.memory_space<semaphore_mem>>)
      %dma_start3A_52 = arith.constant 2 : i32
      %dma_start3A_53 = arith.constant 0 : i32
      %dma_start3A_54 = arith.constant 0 : i32
      %dma_start3A_55 = tpu.memref_slice %arg8[%dma_start3A_53, %dma_start3A_54] : memref<200x64xf32, #tpu.memory_space<vmem>> -> memref<128x64xf32, #tpu.memory_space<vmem>>
      %dma_start3A_56 = arith.constant 0 : i32
      %dma_start3A_57 = tpu.memref_slice %arg5[%dma_start3A_52, %dma_start3A_56] : memref<128x200xi32, #tpu.memory_space<vmem>> -> memref<1x128xi32, #tpu.memory_space<vmem>>
      %dma_start3A_58 = tpu.memref_squeeze %dma_start3A_57 : memref<1x128xi32, #tpu.memory_space<vmem>> -> memref<128xi32, #tpu.memory_space<vmem>>
      %dma_start3A_59 = arith.constant 0 : i32
      %dma_start3A_60 = arith.constant 0 : i32
      %dma_start3A_61 = tpu.memref_slice %arg2[%dma_start3A_59, %dma_start3A_60] : memref<1000000x64xf32, #tpu.memory_space<hbm>> -> memref<1000000x64xf32, #tpu.memory_space<hbm>>
      tpu.enqueue_indirect_dma source(%dma_start3A_61 : memref<1000000x64xf32, #tpu.memory_space<hbm>>) target(%dma_start3A_55 : memref<128x64xf32, #tpu.memory_space<vmem>>) offsets(%dma_start3A_58 : memref<128xi32, #tpu.memory_space<vmem>>) semaphore(%arg13 : memref<!tpu.dma_semaphore, #tpu.memory_space<semaphore_mem>>)
      %dma_start3A_62 = arith.constant 2 : i32
      %dma_start3A_63 = arith.constant 128 : i32
      %dma_start3A_64 = arith.constant 0 : i32
      %dma_start3A_65 = tpu.memref_slice %arg8[%dma_start3A_63, %dma_start3A_64] : memref<200x64xf32, #tpu.memory_space<vmem>> -> memref<72x64xf32, #tpu.memory_space<vmem>>
      %dma_start3A_66 = arith.constant 128 : i32
      %dma_start3A_67 = tpu.memref_slice %arg5[%dma_start3A_62, %dma_start3A_66] : memref<128x200xi32, #tpu.memory_space<vmem>> -> memref<1x72xi32, #tpu.memory_space<vmem>>
      %dma_start3A_68 = tpu.memref_squeeze %dma_start3A_67 : memref<1x72xi32, #tpu.memory_space<vmem>> -> memref<72xi32, #tpu.memory_space<vmem>>
      %dma_start3A_69 = arith.constant 0 : i32
      %dma_start3A_70 = arith.constant 0 : i32
      %dma_start3A_71 = tpu.memref_slice %arg2[%dma_start3A_69, %dma_start3A_70] : memref<1000000x64xf32, #tpu.memory_space<hbm>> -> memref<1000000x64xf32, #tpu.memory_space<hbm>>
      tpu.enqueue_indirect_dma source(%dma_start3A_71 : memref<1000000x64xf32, #tpu.memory_space<hbm>>) target(%dma_start3A_65 : memref<72x64xf32, #tpu.memory_space<vmem>>) offsets(%dma_start3A_68 : memref<72xi32, #tpu.memory_space<vmem>>) semaphore(%arg13 : memref<!tpu.dma_semaphore, #tpu.memory_space<semaphore_mem>>)
      %dma_start3A_72 = arith.constant 3 : i32
      %dma_start3A_73 = arith.constant 0 : i32
      %dma_start3A_74 = arith.constant 0 : i32
      %dma_start3A_75 = tpu.memref_slice %arg9[%dma_start3A_73, %dma_start3A_74] : memref<200x64xf32, #tpu.memory_space<vmem>> -> memref<128x64xf32, #tpu.memory_space<vmem>>
      %dma_start3A_76 = arith.constant 0 : i32
      %dma_start3A_77 = tpu.memref_slice %arg5[%dma_start3A_72, %dma_start3A_76] : memref<128x200xi32, #tpu.memory_space<vmem>> -> memref<1x128xi32, #tpu.memory_space<vmem>>
      %dma_start3A_78 = tpu.memref_squeeze %dma_start3A_77 : memref<1x128xi32, #tpu.memory_space<vmem>> -> memref<128xi32, #tpu.memory_space<vmem>>
      %dma_start3A_79 = arith.constant 0 : i32
      %dma_start3A_80 = arith.constant 0 : i32
      %dma_start3A_81 = tpu.memref_slice %arg2[%dma_start3A_79, %dma_start3A_80] : memref<1000000x64xf32, #tpu.memory_space<hbm>> -> memref<1000000x64xf32, #tpu.memory_space<hbm>>
      tpu.enqueue_indirect_dma source(%dma_start3A_81 : memref<1000000x64xf32, #tpu.memory_space<hbm>>) target(%dma_start3A_75 : memref<128x64xf32, #tpu.memory_space<vmem>>) offsets(%dma_start3A_78 : memref<128xi32, #tpu.memory_space<vmem>>) semaphore(%arg14 : memref<!tpu.dma_semaphore, #tpu.memory_space<semaphore_mem>>)
      %dma_start3A_82 = arith.constant 3 : i32
      %dma_start3A_83 = arith.constant 128 : i32
      %dma_start3A_84 = arith.constant 0 : i32
      %dma_start3A_85 = tpu.memref_slice %arg9[%dma_start3A_83, %dma_start3A_84] : memref<200x64xf32, #tpu.memory_space<vmem>> -> memref<72x64xf32, #tpu.memory_space<vmem>>
      %dma_start3A_86 = arith.constant 128 : i32
      %dma_start3A_87 = tpu.memref_slice %arg5[%dma_start3A_82, %dma_start3A_86] : memref<128x200xi32, #tpu.memory_space<vmem>> -> memref<1x72xi32, #tpu.memory_space<vmem>>
      %dma_start3A_88 = tpu.memref_squeeze %dma_start3A_87 : memref<1x72xi32, #tpu.memory_space<vmem>> -> memref<72xi32, #tpu.memory_space<vmem>>
      %dma_start3A_89 = arith.constant 0 : i32
      %dma_start3A_90 = arith.constant 0 : i32
      %dma_start3A_91 = tpu.memref_slice %arg2[%dma_start3A_89, %dma_start3A_90] : memref<1000000x64xf32, #tpu.memory_space<hbm>> -> memref<1000000x64xf32, #tpu.memory_space<hbm>>
      tpu.enqueue_indirect_dma source(%dma_start3A_91 : memref<1000000x64xf32, #tpu.memory_space<hbm>>) target(%dma_start3A_85 : memref<72x64xf32, #tpu.memory_space<vmem>>) offsets(%dma_start3A_88 : memref<72xi32, #tpu.memory_space<vmem>>) semaphore(%arg14 : memref<!tpu.dma_semaphore, #tpu.memory_space<semaphore_mem>>)
      %scan3A_92 = arith.constant 0 : i32
      %scan3A_93 = arith.constant 32 : i32
      %scan3A_94 = arith.addi %scan3A_92, %scan3A_93 : i32
      %scan3A_95 = arith.constant 1 : i32
      scf.for %scan3A_98 = %scan3A_92 to %scan3A_94 step %scan3A_95  : i32 {
        %mul3A_99 = arith.constant 4 : i32
        %mul3A_100 = arith.muli %scan3A_98, %mul3A_99 : i32
        %add3A_101 = arith.constant 0 : i32
        %add3A_102 = arith.addi %add3A_101, %mul3A_100 : i32
        %dma_wait3A = arith.constant 0 : i32
        %dma_wait3A_103 = arith.constant 0 : i32
        %dma_wait3A_104 = tpu.memref_slice %arg2[%dma_wait3A, %dma_wait3A_103] : memref<1000000x64xf32, #tpu.memory_space<hbm>> -> memref<200x64xf32, #tpu.memory_space<hbm>>
        %dma_wait3A_105 = arith.constant 0 : i32
        %dma_wait3A_106 = arith.constant 0 : i32
        %dma_wait3A_107 = tpu.memref_slice %arg2[%dma_wait3A_105, %dma_wait3A_106] : memref<1000000x64xf32, #tpu.memory_space<hbm>> -> memref<200x64xf32, #tpu.memory_space<hbm>>
        tpu.wait_dma2 semaphore(%arg11 : memref<!tpu.dma_semaphore, #tpu.memory_space<semaphore_mem>>) src(%dma_wait3A_107 : memref<200x64xf32, #tpu.memory_space<hbm>>) dst(%arg6 : memref<200x64xf32, #tpu.memory_space<vmem>>)
        %add3A_108 = arith.constant 4 : i32
        %add3A_109 = arith.addi %add3A_102, %add3A_108 : i32
        %add3A_110 = arith.constant 0 : i32
        %add3A_111 = arith.addi %add3A_109, %add3A_110 : i32
        %lt3A = arith.constant 128 : i32
        %lt3A_112 = arith.cmpi slt, %add3A_111, %lt3A : i32
        %convert_element_type3A = arith.extui %lt3A_112 : i1 to i32
        %cond3A = arith.constant 0 : i32
        %cond3A_113 = arith.cmpi ne, %convert_element_type3A, %cond3A : i32
        scf.if %cond3A_113 {
          %add3A_277 = arith.constant 4 : i32
          %add3A_278 = arith.addi %add3A_102, %add3A_277 : i32
          %add3A_279 = arith.constant 0 : i32
          %add3A_280 = arith.addi %add3A_278, %add3A_279 : i32
          %dma_start3A_281 = arith.constant 0 : i32
          %dma_start3A_282 = arith.constant 0 : i32
          %dma_start3A_283 = tpu.memref_slice %arg6[%dma_start3A_281, %dma_start3A_282] : memref<200x64xf32, #tpu.memory_space<vmem>> -> memref<128x64xf32, #tpu.memory_space<vmem>>
          %dma_start3A_284 = arith.constant 0 : i32
          %dma_start3A_285 = tpu.memref_slice %arg5[%add3A_280, %dma_start3A_284] : memref<128x200xi32, #tpu.memory_space<vmem>> -> memref<1x128xi32, #tpu.memory_space<vmem>>
          %dma_start3A_286 = tpu.memref_squeeze %dma_start3A_285 : memref<1x128xi32, #tpu.memory_space<vmem>> -> memref<128xi32, #tpu.memory_space<vmem>>
          %dma_start3A_287 = arith.constant 0 : i32
          %dma_start3A_288 = arith.constant 0 : i32
          %dma_start3A_289 = tpu.memref_slice %arg2[%dma_start3A_287, %dma_start3A_288] : memref<1000000x64xf32, #tpu.memory_space<hbm>> -> memref<1000000x64xf32, #tpu.memory_space<hbm>>
          tpu.enqueue_indirect_dma source(%dma_start3A_289 : memref<1000000x64xf32, #tpu.memory_space<hbm>>) target(%dma_start3A_283 : memref<128x64xf32, #tpu.memory_space<vmem>>) offsets(%dma_start3A_286 : memref<128xi32, #tpu.memory_space<vmem>>) semaphore(%arg11 : memref<!tpu.dma_semaphore, #tpu.memory_space<semaphore_mem>>)
          %dma_start3A_290 = arith.constant 128 : i32
          %dma_start3A_291 = arith.constant 0 : i32
          %dma_start3A_292 = tpu.memref_slice %arg6[%dma_start3A_290, %dma_start3A_291] : memref<200x64xf32, #tpu.memory_space<vmem>> -> memref<72x64xf32, #tpu.memory_space<vmem>>
          %dma_start3A_293 = arith.constant 128 : i32
          %dma_start3A_294 = tpu.memref_slice %arg5[%add3A_280, %dma_start3A_293] : memref<128x200xi32, #tpu.memory_space<vmem>> -> memref<1x72xi32, #tpu.memory_space<vmem>>
          %dma_start3A_295 = tpu.memref_squeeze %dma_start3A_294 : memref<1x72xi32, #tpu.memory_space<vmem>> -> memref<72xi32, #tpu.memory_space<vmem>>
          %dma_start3A_296 = arith.constant 0 : i32
          %dma_start3A_297 = arith.constant 0 : i32
          %dma_start3A_298 = tpu.memref_slice %arg2[%dma_start3A_296, %dma_start3A_297] : memref<1000000x64xf32, #tpu.memory_space<hbm>> -> memref<1000000x64xf32, #tpu.memory_space<hbm>>
          tpu.enqueue_indirect_dma source(%dma_start3A_298 : memref<1000000x64xf32, #tpu.memory_space<hbm>>) target(%dma_start3A_292 : memref<72x64xf32, #tpu.memory_space<vmem>>) offsets(%dma_start3A_295 : memref<72xi32, #tpu.memory_space<vmem>>) semaphore(%arg11 : memref<!tpu.dma_semaphore, #tpu.memory_space<semaphore_mem>>)
        } else {
        }
        %add3A_114 = arith.constant 0 : i32
        %add3A_115 = arith.addi %add3A_102, %add3A_114 : i32
        %broadcast_in_dim3A = arith.constant 0.000000e+00 : f32
        %broadcast_in_dim3A_116 = vector.broadcast %broadcast_in_dim3A : f32 to vector<16xf32>
        %scan3A_117 = arith.constant 0 : i32
        %scan3A_118 = arith.constant 200 : i32
        %scan3A_119 = arith.addi %scan3A_117, %scan3A_118 : i32
        %scan3A_120 = arith.constant 4 : i32
        %scan3A_121:4 = scf.for %scan3A_277 = %scan3A_117 to %scan3A_119 step %scan3A_120 iter_args(%scan3A_278 = %broadcast_in_dim3A_116, %scan3A_279 = %broadcast_in_dim3A_116, %scan3A_280 = %broadcast_in_dim3A_116, %scan3A_281 = %broadcast_in_dim3A_116) -> (vector<16xf32>, vector<16xf32>, vector<16xf32>, vector<16xf32>)  : i32 {
          %get3A = arith.index_cast %scan3A_277 : i32 to index
          %get3A_282 = arith.constant 0 : index
          %get3A_283 = tpu.vector_load %arg6[%get3A, %get3A_282] {strides = array<i32>} : memref<200x64xf32, #tpu.memory_space<vmem>>, vector<1x16xf32>,
          %get3A_284 = vector.shape_cast %get3A_283 : vector<1x16xf32> to vector<16xf32>
          %add3A_285 = arith.addf %scan3A_278, %get3A_284 : vector<16xf32>
          %get3A_286 = arith.index_cast %scan3A_277 : i32 to index
          %get3A_287 = arith.constant 16 : index
          %get3A_288 = tpu.vector_load %arg6[%get3A_286, %get3A_287] {strides = array<i32>} : memref<200x64xf32, #tpu.memory_space<vmem>>, vector<1x16xf32>,
          %get3A_289 = vector.shape_cast %get3A_288 : vector<1x16xf32> to vector<16xf32>
          %add3A_290 = arith.addf %scan3A_279, %get3A_289 : vector<16xf32>
          %get3A_291 = arith.index_cast %scan3A_277 : i32 to index
          %get3A_292 = arith.constant 32 : index
          %get3A_293 = tpu.vector_load %arg6[%get3A_291, %get3A_292] {strides = array<i32>} : memref<200x64xf32, #tpu.memory_space<vmem>>, vector<1x16xf32>,
          %get3A_294 = vector.shape_cast %get3A_293 : vector<1x16xf32> to vector<16xf32>
          %add3A_295 = arith.addf %scan3A_280, %get3A_294 : vector<16xf32>
          %get3A_296 = arith.index_cast %scan3A_277 : i32 to index
          %get3A_297 = arith.constant 48 : index
          %get3A_298 = tpu.vector_load %arg6[%get3A_296, %get3A_297] {strides = array<i32>} : memref<200x64xf32, #tpu.memory_space<vmem>>, vector<1x16xf32>,
          %get3A_299 = vector.shape_cast %get3A_298 : vector<1x16xf32> to vector<16xf32>
          %add3A_300 = arith.addf %scan3A_281, %get3A_299 : vector<16xf32>
          %scan3A_301 = arith.constant 1 : i32
          %scan3A_302 = arith.addi %scan3A_277, %scan3A_301 : i32
          %get3A_303 = arith.index_cast %scan3A_302 : i32 to index
          %get3A_304 = arith.constant 0 : index
          %get3A_305 = tpu.vector_load %arg6[%get3A_303, %get3A_304] {strides = array<i32>} : memref<200x64xf32, #tpu.memory_space<vmem>>, vector<1x16xf32>,
          %get3A_306 = vector.shape_cast %get3A_305 : vector<1x16xf32> to vector<16xf32>
          %add3A_307 = arith.addf %add3A_285, %get3A_306 : vector<16xf32>
          %get3A_308 = arith.index_cast %scan3A_302 : i32 to index
          %get3A_309 = arith.constant 16 : index
          %get3A_310 = tpu.vector_load %arg6[%get3A_308, %get3A_309] {strides = array<i32>} : memref<200x64xf32, #tpu.memory_space<vmem>>, vector<1x16xf32>,
          %get3A_311 = vector.shape_cast %get3A_310 : vector<1x16xf32> to vector<16xf32>
          %add3A_312 = arith.addf %add3A_290, %get3A_311 : vector<16xf32>
          %get3A_313 = arith.index_cast %scan3A_302 : i32 to index
          %get3A_314 = arith.constant 32 : index
          %get3A_315 = tpu.vector_load %arg6[%get3A_313, %get3A_314] {strides = array<i32>} : memref<200x64xf32, #tpu.memory_space<vmem>>, vector<1x16xf32>,
          %get3A_316 = vector.shape_cast %get3A_315 : vector<1x16xf32> to vector<16xf32>
          %add3A_317 = arith.addf %add3A_295, %get3A_316 : vector<16xf32>
          %get3A_318 = arith.index_cast %scan3A_302 : i32 to index
          %get3A_319 = arith.constant 48 : index
          %get3A_320 = tpu.vector_load %arg6[%get3A_318, %get3A_319] {strides = array<i32>} : memref<200x64xf32, #tpu.memory_space<vmem>>, vector<1x16xf32>,
          %get3A_321 = vector.shape_cast %get3A_320 : vector<1x16xf32> to vector<16xf32>
          %add3A_322 = arith.addf %add3A_300, %get3A_321 : vector<16xf32>
          %scan3A_323 = arith.constant 2 : i32
          %scan3A_324 = arith.addi %scan3A_277, %scan3A_323 : i32
          %get3A_325 = arith.index_cast %scan3A_324 : i32 to index
          %get3A_326 = arith.constant 0 : index
          %get3A_327 = tpu.vector_load %arg6[%get3A_325, %get3A_326] {strides = array<i32>} : memref<200x64xf32, #tpu.memory_space<vmem>>, vector<1x16xf32>,
          %get3A_328 = vector.shape_cast %get3A_327 : vector<1x16xf32> to vector<16xf32>
          %add3A_329 = arith.addf %add3A_307, %get3A_328 : vector<16xf32>
          %get3A_330 = arith.index_cast %scan3A_324 : i32 to index
          %get3A_331 = arith.constant 16 : index
          %get3A_332 = tpu.vector_load %arg6[%get3A_330, %get3A_331] {strides = array<i32>} : memref<200x64xf32, #tpu.memory_space<vmem>>, vector<1x16xf32>,
          %get3A_333 = vector.shape_cast %get3A_332 : vector<1x16xf32> to vector<16xf32>
          %add3A_334 = arith.addf %add3A_312, %get3A_333 : vector<16xf32>
          %get3A_335 = arith.index_cast %scan3A_324 : i32 to index
          %get3A_336 = arith.constant 32 : index
          %get3A_337 = tpu.vector_load %arg6[%get3A_335, %get3A_336] {strides = array<i32>} : memref<200x64xf32, #tpu.memory_space<vmem>>, vector<1x16xf32>,
          %get3A_338 = vector.shape_cast %get3A_337 : vector<1x16xf32> to vector<16xf32>
          %add3A_339 = arith.addf %add3A_317, %get3A_338 : vector<16xf32>
          %get3A_340 = arith.index_cast %scan3A_324 : i32 to index
          %get3A_341 = arith.constant 48 : index
          %get3A_342 = tpu.vector_load %arg6[%get3A_340, %get3A_341] {strides = array<i32>} : memref<200x64xf32, #tpu.memory_space<vmem>>, vector<1x16xf32>,
          %get3A_343 = vector.shape_cast %get3A_342 : vector<1x16xf32> to vector<16xf32>
          %add3A_344 = arith.addf %add3A_322, %get3A_343 : vector<16xf32>
          %scan3A_345 = arith.constant 3 : i32
          %scan3A_346 = arith.addi %scan3A_277, %scan3A_345 : i32
          %get3A_347 = arith.index_cast %scan3A_346 : i32 to index
          %get3A_348 = arith.constant 0 : index
          %get3A_349 = tpu.vector_load %arg6[%get3A_347, %get3A_348] {strides = array<i32>} : memref<200x64xf32, #tpu.memory_space<vmem>>, vector<1x16xf32>,
          %get3A_350 = vector.shape_cast %get3A_349 : vector<1x16xf32> to vector<16xf32>
          %add3A_351 = arith.addf %add3A_329, %get3A_350 : vector<16xf32>
          %get3A_352 = arith.index_cast %scan3A_346 : i32 to index
          %get3A_353 = arith.constant 16 : index
          %get3A_354 = tpu.vector_load %arg6[%get3A_352, %get3A_353] {strides = array<i32>} : memref<200x64xf32, #tpu.memory_space<vmem>>, vector<1x16xf32>,
          %get3A_355 = vector.shape_cast %get3A_354 : vector<1x16xf32> to vector<16xf32>
          %add3A_356 = arith.addf %add3A_334, %get3A_355 : vector<16xf32>
          %get3A_357 = arith.index_cast %scan3A_346 : i32 to index
          %get3A_358 = arith.constant 32 : index
          %get3A_359 = tpu.vector_load %arg6[%get3A_357, %get3A_358] {strides = array<i32>} : memref<200x64xf32, #tpu.memory_space<vmem>>, vector<1x16xf32>,
          %get3A_360 = vector.shape_cast %get3A_359 : vector<1x16xf32> to vector<16xf32>
          %add3A_361 = arith.addf %add3A_339, %get3A_360 : vector<16xf32>
          %get3A_362 = arith.index_cast %scan3A_346 : i32 to index
          %get3A_363 = arith.constant 48 : index
          %get3A_364 = tpu.vector_load %arg6[%get3A_362, %get3A_363] {strides = array<i32>} : memref<200x64xf32, #tpu.memory_space<vmem>>, vector<1x16xf32>,
          %get3A_365 = vector.shape_cast %get3A_364 : vector<1x16xf32> to vector<16xf32>
          %add3A_366 = arith.addf %add3A_344, %get3A_365 : vector<16xf32>
          scf.yield %add3A_351, %add3A_356, %add3A_361, %add3A_366 : vector<16xf32>, vector<16xf32>, vector<16xf32>, vector<16xf32>
        }
        %scan3A_122 = arith.constant 200 : i32
        %swap3A = arith.index_cast %add3A_115 : i32 to index
        %swap3A_123 = arith.constant 0 : index
        %swap3A_124 = tpu.vector_load %arg10[%swap3A, %swap3A_123] {strides = array<i32>} : memref<128x64xf32, #tpu.memory_space<vmem>>, vector<1x16xf32>,
        %swap3A_125 = vector.shape_cast %swap3A_124 : vector<1x16xf32> to vector<16xf32>
        %swap3A_126 = vector.shape_cast %scan3A_121#0 : vector<16xf32> to vector<1x16xf32>
        tpu.vector_store %arg10[%swap3A, %swap3A_123], %swap3A_126 {strides = array<i32>} : memref<128x64xf32, #tpu.memory_space<vmem>>, vector<1x16xf32>,
        %swap3A_127 = arith.index_cast %add3A_115 : i32 to index
        %swap3A_128 = arith.constant 16 : index
        %swap3A_129 = tpu.vector_load %arg10[%swap3A_127, %swap3A_128] {strides = array<i32>} : memref<128x64xf32, #tpu.memory_space<vmem>>, vector<1x16xf32>,
        %swap3A_130 = vector.shape_cast %swap3A_129 : vector<1x16xf32> to vector<16xf32>
        %swap3A_131 = vector.shape_cast %scan3A_121#1 : vector<16xf32> to vector<1x16xf32>
        tpu.vector_store %arg10[%swap3A_127, %swap3A_128], %swap3A_131 {strides = array<i32>} : memref<128x64xf32, #tpu.memory_space<vmem>>, vector<1x16xf32>,
        %swap3A_132 = arith.index_cast %add3A_115 : i32 to index
        %swap3A_133 = arith.constant 32 : index
        %swap3A_134 = tpu.vector_load %arg10[%swap3A_132, %swap3A_133] {strides = array<i32>} : memref<128x64xf32, #tpu.memory_space<vmem>>, vector<1x16xf32>,
        %swap3A_135 = vector.shape_cast %swap3A_134 : vector<1x16xf32> to vector<16xf32>
        %swap3A_136 = vector.shape_cast %scan3A_121#2 : vector<16xf32> to vector<1x16xf32>
        tpu.vector_store %arg10[%swap3A_132, %swap3A_133], %swap3A_136 {strides = array<i32>} : memref<128x64xf32, #tpu.memory_space<vmem>>, vector<1x16xf32>,
        %swap3A_137 = arith.index_cast %add3A_115 : i32 to index
        %swap3A_138 = arith.constant 48 : index
        %swap3A_139 = tpu.vector_load %arg10[%swap3A_137, %swap3A_138] {strides = array<i32>} : memref<128x64xf32, #tpu.memory_space<vmem>>, vector<1x16xf32>,
        %swap3A_140 = vector.shape_cast %swap3A_139 : vector<1x16xf32> to vector<16xf32>
        %swap3A_141 = vector.shape_cast %scan3A_121#3 : vector<16xf32> to vector<1x16xf32>
        tpu.vector_store %arg10[%swap3A_137, %swap3A_138], %swap3A_141 {strides = array<i32>} : memref<128x64xf32, #tpu.memory_space<vmem>>, vector<1x16xf32>,
        %dma_wait3A_142 = arith.constant 0 : i32
        %dma_wait3A_143 = arith.constant 0 : i32
        %dma_wait3A_144 = tpu.memref_slice %arg2[%dma_wait3A_142, %dma_wait3A_143] : memref<1000000x64xf32, #tpu.memory_space<hbm>> -> memref<200x64xf32, #tpu.memory_space<hbm>>
        %dma_wait3A_145 = arith.constant 0 : i32
        %dma_wait3A_146 = arith.constant 0 : i32
        %dma_wait3A_147 = tpu.memref_slice %arg2[%dma_wait3A_145, %dma_wait3A_146] : memref<1000000x64xf32, #tpu.memory_space<hbm>> -> memref<200x64xf32, #tpu.memory_space<hbm>>
        tpu.wait_dma2 semaphore(%arg12 : memref<!tpu.dma_semaphore, #tpu.memory_space<semaphore_mem>>) src(%dma_wait3A_147 : memref<200x64xf32, #tpu.memory_space<hbm>>) dst(%arg7 : memref<200x64xf32, #tpu.memory_space<vmem>>)
        %add3A_148 = arith.constant 4 : i32
        %add3A_149 = arith.addi %add3A_102, %add3A_148 : i32
        %add3A_150 = arith.constant 1 : i32
        %add3A_151 = arith.addi %add3A_149, %add3A_150 : i32
        %lt3A_152 = arith.constant 128 : i32
        %lt3A_153 = arith.cmpi slt, %add3A_151, %lt3A_152 : i32
        %convert_element_type3A_154 = arith.extui %lt3A_153 : i1 to i32
        %cond3A_155 = arith.constant 0 : i32
        %cond3A_156 = arith.cmpi ne, %convert_element_type3A_154, %cond3A_155 : i32
        scf.if %cond3A_156 {
          %add3A_277 = arith.constant 4 : i32
          %add3A_278 = arith.addi %add3A_102, %add3A_277 : i32
          %add3A_279 = arith.constant 1 : i32
          %add3A_280 = arith.addi %add3A_278, %add3A_279 : i32
          %dma_start3A_281 = arith.constant 0 : i32
          %dma_start3A_282 = arith.constant 0 : i32
          %dma_start3A_283 = tpu.memref_slice %arg7[%dma_start3A_281, %dma_start3A_282] : memref<200x64xf32, #tpu.memory_space<vmem>> -> memref<128x64xf32, #tpu.memory_space<vmem>>
          %dma_start3A_284 = arith.constant 0 : i32
          %dma_start3A_285 = tpu.memref_slice %arg5[%add3A_280, %dma_start3A_284] : memref<128x200xi32, #tpu.memory_space<vmem>> -> memref<1x128xi32, #tpu.memory_space<vmem>>
          %dma_start3A_286 = tpu.memref_squeeze %dma_start3A_285 : memref<1x128xi32, #tpu.memory_space<vmem>> -> memref<128xi32, #tpu.memory_space<vmem>>
          %dma_start3A_287 = arith.constant 0 : i32
          %dma_start3A_288 = arith.constant 0 : i32
          %dma_start3A_289 = tpu.memref_slice %arg2[%dma_start3A_287, %dma_start3A_288] : memref<1000000x64xf32, #tpu.memory_space<hbm>> -> memref<1000000x64xf32, #tpu.memory_space<hbm>>
          tpu.enqueue_indirect_dma source(%dma_start3A_289 : memref<1000000x64xf32, #tpu.memory_space<hbm>>) target(%dma_start3A_283 : memref<128x64xf32, #tpu.memory_space<vmem>>) offsets(%dma_start3A_286 : memref<128xi32, #tpu.memory_space<vmem>>) semaphore(%arg12 : memref<!tpu.dma_semaphore, #tpu.memory_space<semaphore_mem>>)
          %dma_start3A_290 = arith.constant 128 : i32
          %dma_start3A_291 = arith.constant 0 : i32
          %dma_start3A_292 = tpu.memref_slice %arg7[%dma_start3A_290, %dma_start3A_291] : memref<200x64xf32, #tpu.memory_space<vmem>> -> memref<72x64xf32, #tpu.memory_space<vmem>>
          %dma_start3A_293 = arith.constant 128 : i32
          %dma_start3A_294 = tpu.memref_slice %arg5[%add3A_280, %dma_start3A_293] : memref<128x200xi32, #tpu.memory_space<vmem>> -> memref<1x72xi32, #tpu.memory_space<vmem>>
          %dma_start3A_295 = tpu.memref_squeeze %dma_start3A_294 : memref<1x72xi32, #tpu.memory_space<vmem>> -> memref<72xi32, #tpu.memory_space<vmem>>
          %dma_start3A_296 = arith.constant 0 : i32
          %dma_start3A_297 = arith.constant 0 : i32
          %dma_start3A_298 = tpu.memref_slice %arg2[%dma_start3A_296, %dma_start3A_297] : memref<1000000x64xf32, #tpu.memory_space<hbm>> -> memref<1000000x64xf32, #tpu.memory_space<hbm>>
          tpu.enqueue_indirect_dma source(%dma_start3A_298 : memref<1000000x64xf32, #tpu.memory_space<hbm>>) target(%dma_start3A_292 : memref<72x64xf32, #tpu.memory_space<vmem>>) offsets(%dma_start3A_295 : memref<72xi32, #tpu.memory_space<vmem>>) semaphore(%arg12 : memref<!tpu.dma_semaphore, #tpu.memory_space<semaphore_mem>>)
        } else {
        }
        %add3A_157 = arith.constant 1 : i32
        %add3A_158 = arith.addi %add3A_102, %add3A_157 : i32
        %broadcast_in_dim3A_159 = arith.constant 0.000000e+00 : f32
        %broadcast_in_dim3A_160 = vector.broadcast %broadcast_in_dim3A_159 : f32 to vector<16xf32>
        %scan3A_161 = arith.constant 0 : i32
        %scan3A_162 = arith.constant 200 : i32
        %scan3A_163 = arith.addi %scan3A_161, %scan3A_162 : i32
        %scan3A_164 = arith.constant 4 : i32
        %scan3A_165:4 = scf.for %scan3A_277 = %scan3A_161 to %scan3A_163 step %scan3A_164 iter_args(%scan3A_278 = %broadcast_in_dim3A_160, %scan3A_279 = %broadcast_in_dim3A_160, %scan3A_280 = %broadcast_in_dim3A_160, %scan3A_281 = %broadcast_in_dim3A_160) -> (vector<16xf32>, vector<16xf32>, vector<16xf32>, vector<16xf32>)  : i32 {
          %get3A = arith.index_cast %scan3A_277 : i32 to index
          %get3A_282 = arith.constant 0 : index
          %get3A_283 = tpu.vector_load %arg7[%get3A, %get3A_282] {strides = array<i32>} : memref<200x64xf32, #tpu.memory_space<vmem>>, vector<1x16xf32>,
          %get3A_284 = vector.shape_cast %get3A_283 : vector<1x16xf32> to vector<16xf32>
          %add3A_285 = arith.addf %scan3A_278, %get3A_284 : vector<16xf32>
          %get3A_286 = arith.index_cast %scan3A_277 : i32 to index
          %get3A_287 = arith.constant 16 : index
          %get3A_288 = tpu.vector_load %arg7[%get3A_286, %get3A_287] {strides = array<i32>} : memref<200x64xf32, #tpu.memory_space<vmem>>, vector<1x16xf32>,
          %get3A_289 = vector.shape_cast %get3A_288 : vector<1x16xf32> to vector<16xf32>
          %add3A_290 = arith.addf %scan3A_279, %get3A_289 : vector<16xf32>
          %get3A_291 = arith.index_cast %scan3A_277 : i32 to index
          %get3A_292 = arith.constant 32 : index
          %get3A_293 = tpu.vector_load %arg7[%get3A_291, %get3A_292] {strides = array<i32>} : memref<200x64xf32, #tpu.memory_space<vmem>>, vector<1x16xf32>,
          %get3A_294 = vector.shape_cast %get3A_293 : vector<1x16xf32> to vector<16xf32>
          %add3A_295 = arith.addf %scan3A_280, %get3A_294 : vector<16xf32>
          %get3A_296 = arith.index_cast %scan3A_277 : i32 to index
          %get3A_297 = arith.constant 48 : index
          %get3A_298 = tpu.vector_load %arg7[%get3A_296, %get3A_297] {strides = array<i32>} : memref<200x64xf32, #tpu.memory_space<vmem>>, vector<1x16xf32>,
          %get3A_299 = vector.shape_cast %get3A_298 : vector<1x16xf32> to vector<16xf32>
          %add3A_300 = arith.addf %scan3A_281, %get3A_299 : vector<16xf32>
          %scan3A_301 = arith.constant 1 : i32
          %scan3A_302 = arith.addi %scan3A_277, %scan3A_301 : i32
          %get3A_303 = arith.index_cast %scan3A_302 : i32 to index
          %get3A_304 = arith.constant 0 : index
          %get3A_305 = tpu.vector_load %arg7[%get3A_303, %get3A_304] {strides = array<i32>} : memref<200x64xf32, #tpu.memory_space<vmem>>, vector<1x16xf32>,
          %get3A_306 = vector.shape_cast %get3A_305 : vector<1x16xf32> to vector<16xf32>
          %add3A_307 = arith.addf %add3A_285, %get3A_306 : vector<16xf32>
          %get3A_308 = arith.index_cast %scan3A_302 : i32 to index
          %get3A_309 = arith.constant 16 : index
          %get3A_310 = tpu.vector_load %arg7[%get3A_308, %get3A_309] {strides = array<i32>} : memref<200x64xf32, #tpu.memory_space<vmem>>, vector<1x16xf32>,
          %get3A_311 = vector.shape_cast %get3A_310 : vector<1x16xf32> to vector<16xf32>
          %add3A_312 = arith.addf %add3A_290, %get3A_311 : vector<16xf32>
          %get3A_313 = arith.index_cast %scan3A_302 : i32 to index
          %get3A_314 = arith.constant 32 : index
          %get3A_315 = tpu.vector_load %arg7[%get3A_313, %get3A_314] {strides = array<i32>} : memref<200x64xf32, #tpu.memory_space<vmem>>, vector<1x16xf32>,
          %get3A_316 = vector.shape_cast %get3A_315 : vector<1x16xf32> to vector<16xf32>
          %add3A_317 = arith.addf %add3A_295, %get3A_316 : vector<16xf32>
          %get3A_318 = arith.index_cast %scan3A_302 : i32 to index
          %get3A_319 = arith.constant 48 : index
          %get3A_320 = tpu.vector_load %arg7[%get3A_318, %get3A_319] {strides = array<i32>} : memref<200x64xf32, #tpu.memory_space<vmem>>, vector<1x16xf32>,
          %get3A_321 = vector.shape_cast %get3A_320 : vector<1x16xf32> to vector<16xf32>
          %add3A_322 = arith.addf %add3A_300, %get3A_321 : vector<16xf32>
          %scan3A_323 = arith.constant 2 : i32
          %scan3A_324 = arith.addi %scan3A_277, %scan3A_323 : i32
          %get3A_325 = arith.index_cast %scan3A_324 : i32 to index
          %get3A_326 = arith.constant 0 : index
          %get3A_327 = tpu.vector_load %arg7[%get3A_325, %get3A_326] {strides = array<i32>} : memref<200x64xf32, #tpu.memory_space<vmem>>, vector<1x16xf32>,
          %get3A_328 = vector.shape_cast %get3A_327 : vector<1x16xf32> to vector<16xf32>
          %add3A_329 = arith.addf %add3A_307, %get3A_328 : vector<16xf32>
          %get3A_330 = arith.index_cast %scan3A_324 : i32 to index
          %get3A_331 = arith.constant 16 : index
          %get3A_332 = tpu.vector_load %arg7[%get3A_330, %get3A_331] {strides = array<i32>} : memref<200x64xf32, #tpu.memory_space<vmem>>, vector<1x16xf32>,
          %get3A_333 = vector.shape_cast %get3A_332 : vector<1x16xf32> to vector<16xf32>
          %add3A_334 = arith.addf %add3A_312, %get3A_333 : vector<16xf32>
          %get3A_335 = arith.index_cast %scan3A_324 : i32 to index
          %get3A_336 = arith.constant 32 : index
          %get3A_337 = tpu.vector_load %arg7[%get3A_335, %get3A_336] {strides = array<i32>} : memref<200x64xf32, #tpu.memory_space<vmem>>, vector<1x16xf32>,
          %get3A_338 = vector.shape_cast %get3A_337 : vector<1x16xf32> to vector<16xf32>
          %add3A_339 = arith.addf %add3A_317, %get3A_338 : vector<16xf32>
          %get3A_340 = arith.index_cast %scan3A_324 : i32 to index
          %get3A_341 = arith.constant 48 : index
          %get3A_342 = tpu.vector_load %arg7[%get3A_340, %get3A_341] {strides = array<i32>} : memref<200x64xf32, #tpu.memory_space<vmem>>, vector<1x16xf32>,
          %get3A_343 = vector.shape_cast %get3A_342 : vector<1x16xf32> to vector<16xf32>
          %add3A_344 = arith.addf %add3A_322, %get3A_343 : vector<16xf32>
          %scan3A_345 = arith.constant 3 : i32
          %scan3A_346 = arith.addi %scan3A_277, %scan3A_345 : i32
          %get3A_347 = arith.index_cast %scan3A_346 : i32 to index
          %get3A_348 = arith.constant 0 : index
          %get3A_349 = tpu.vector_load %arg7[%get3A_347, %get3A_348] {strides = array<i32>} : memref<200x64xf32, #tpu.memory_space<vmem>>, vector<1x16xf32>,
          %get3A_350 = vector.shape_cast %get3A_349 : vector<1x16xf32> to vector<16xf32>
          %add3A_351 = arith.addf %add3A_329, %get3A_350 : vector<16xf32>
          %get3A_352 = arith.index_cast %scan3A_346 : i32 to index
          %get3A_353 = arith.constant 16 : index
          %get3A_354 = tpu.vector_load %arg7[%get3A_352, %get3A_353] {strides = array<i32>} : memref<200x64xf32, #tpu.memory_space<vmem>>, vector<1x16xf32>,
          %get3A_355 = vector.shape_cast %get3A_354 : vector<1x16xf32> to vector<16xf32>
          %add3A_356 = arith.addf %add3A_334, %get3A_355 : vector<16xf32>
          %get3A_357 = arith.index_cast %scan3A_346 : i32 to index
          %get3A_358 = arith.constant 32 : index
          %get3A_359 = tpu.vector_load %arg7[%get3A_357, %get3A_358] {strides = array<i32>} : memref<200x64xf32, #tpu.memory_space<vmem>>, vector<1x16xf32>,
          %get3A_360 = vector.shape_cast %get3A_359 : vector<1x16xf32> to vector<16xf32>
          %add3A_361 = arith.addf %add3A_339, %get3A_360 : vector<16xf32>
          %get3A_362 = arith.index_cast %scan3A_346 : i32 to index
          %get3A_363 = arith.constant 48 : index
          %get3A_364 = tpu.vector_load %arg7[%get3A_362, %get3A_363] {strides = array<i32>} : memref<200x64xf32, #tpu.memory_space<vmem>>, vector<1x16xf32>,
          %get3A_365 = vector.shape_cast %get3A_364 : vector<1x16xf32> to vector<16xf32>
          %add3A_366 = arith.addf %add3A_344, %get3A_365 : vector<16xf32>
          scf.yield %add3A_351, %add3A_356, %add3A_361, %add3A_366 : vector<16xf32>, vector<16xf32>, vector<16xf32>, vector<16xf32>
        }
        %scan3A_166 = arith.constant 200 : i32
        %swap3A_167 = arith.index_cast %add3A_158 : i32 to index
        %swap3A_168 = arith.constant 0 : index
        %swap3A_169 = tpu.vector_load %arg10[%swap3A_167, %swap3A_168] {strides = array<i32>} : memref<128x64xf32, #tpu.memory_space<vmem>>, vector<1x16xf32>,
        %swap3A_170 = vector.shape_cast %swap3A_169 : vector<1x16xf32> to vector<16xf32>
        %swap3A_171 = vector.shape_cast %scan3A_165#0 : vector<16xf32> to vector<1x16xf32>
        tpu.vector_store %arg10[%swap3A_167, %swap3A_168], %swap3A_171 {strides = array<i32>} : memref<128x64xf32, #tpu.memory_space<vmem>>, vector<1x16xf32>,
        %swap3A_172 = arith.index_cast %add3A_158 : i32 to index
        %swap3A_173 = arith.constant 16 : index
        %swap3A_174 = tpu.vector_load %arg10[%swap3A_172, %swap3A_173] {strides = array<i32>} : memref<128x64xf32, #tpu.memory_space<vmem>>, vector<1x16xf32>,
        %swap3A_175 = vector.shape_cast %swap3A_174 : vector<1x16xf32> to vector<16xf32>
        %swap3A_176 = vector.shape_cast %scan3A_165#1 : vector<16xf32> to vector<1x16xf32>
        tpu.vector_store %arg10[%swap3A_172, %swap3A_173], %swap3A_176 {strides = array<i32>} : memref<128x64xf32, #tpu.memory_space<vmem>>, vector<1x16xf32>,
        %swap3A_177 = arith.index_cast %add3A_158 : i32 to index
        %swap3A_178 = arith.constant 32 : index
        %swap3A_179 = tpu.vector_load %arg10[%swap3A_177, %swap3A_178] {strides = array<i32>} : memref<128x64xf32, #tpu.memory_space<vmem>>, vector<1x16xf32>,
        %swap3A_180 = vector.shape_cast %swap3A_179 : vector<1x16xf32> to vector<16xf32>
        %swap3A_181 = vector.shape_cast %scan3A_165#2 : vector<16xf32> to vector<1x16xf32>
        tpu.vector_store %arg10[%swap3A_177, %swap3A_178], %swap3A_181 {strides = array<i32>} : memref<128x64xf32, #tpu.memory_space<vmem>>, vector<1x16xf32>,
        %swap3A_182 = arith.index_cast %add3A_158 : i32 to index
        %swap3A_183 = arith.constant 48 : index
        %swap3A_184 = tpu.vector_load %arg10[%swap3A_182, %swap3A_183] {strides = array<i32>} : memref<128x64xf32, #tpu.memory_space<vmem>>, vector<1x16xf32>,
        %swap3A_185 = vector.shape_cast %swap3A_184 : vector<1x16xf32> to vector<16xf32>
        %swap3A_186 = vector.shape_cast %scan3A_165#3 : vector<16xf32> to vector<1x16xf32>
        tpu.vector_store %arg10[%swap3A_182, %swap3A_183], %swap3A_186 {strides = array<i32>} : memref<128x64xf32, #tpu.memory_space<vmem>>, vector<1x16xf32>,
        %dma_wait3A_187 = arith.constant 0 : i32
        %dma_wait3A_188 = arith.constant 0 : i32
        %dma_wait3A_189 = tpu.memref_slice %arg2[%dma_wait3A_187, %dma_wait3A_188] : memref<1000000x64xf32, #tpu.memory_space<hbm>> -> memref<200x64xf32, #tpu.memory_space<hbm>>
        %dma_wait3A_190 = arith.constant 0 : i32
        %dma_wait3A_191 = arith.constant 0 : i32
        %dma_wait3A_192 = tpu.memref_slice %arg2[%dma_wait3A_190, %dma_wait3A_191] : memref<1000000x64xf32, #tpu.memory_space<hbm>> -> memref<200x64xf32, #tpu.memory_space<hbm>>
        tpu.wait_dma2 semaphore(%arg13 : memref<!tpu.dma_semaphore, #tpu.memory_space<semaphore_mem>>) src(%dma_wait3A_192 : memref<200x64xf32, #tpu.memory_space<hbm>>) dst(%arg8 : memref<200x64xf32, #tpu.memory_space<vmem>>)
        %add3A_193 = arith.constant 4 : i32
        %add3A_194 = arith.addi %add3A_102, %add3A_193 : i32
        %add3A_195 = arith.constant 2 : i32
        %add3A_196 = arith.addi %add3A_194, %add3A_195 : i32
        %lt3A_197 = arith.constant 128 : i32
        %lt3A_198 = arith.cmpi slt, %add3A_196, %lt3A_197 : i32
        %convert_element_type3A_199 = arith.extui %lt3A_198 : i1 to i32
        %cond3A_200 = arith.constant 0 : i32
        %cond3A_201 = arith.cmpi ne, %convert_element_type3A_199, %cond3A_200 : i32
        scf.if %cond3A_201 {
          %add3A_277 = arith.constant 4 : i32
          %add3A_278 = arith.addi %add3A_102, %add3A_277 : i32
          %add3A_279 = arith.constant 2 : i32
          %add3A_280 = arith.addi %add3A_278, %add3A_279 : i32
          %dma_start3A_281 = arith.constant 0 : i32
          %dma_start3A_282 = arith.constant 0 : i32
          %dma_start3A_283 = tpu.memref_slice %arg8[%dma_start3A_281, %dma_start3A_282] : memref<200x64xf32, #tpu.memory_space<vmem>> -> memref<128x64xf32, #tpu.memory_space<vmem>>
          %dma_start3A_284 = arith.constant 0 : i32
          %dma_start3A_285 = tpu.memref_slice %arg5[%add3A_280, %dma_start3A_284] : memref<128x200xi32, #tpu.memory_space<vmem>> -> memref<1x128xi32, #tpu.memory_space<vmem>>
          %dma_start3A_286 = tpu.memref_squeeze %dma_start3A_285 : memref<1x128xi32, #tpu.memory_space<vmem>> -> memref<128xi32, #tpu.memory_space<vmem>>
          %dma_start3A_287 = arith.constant 0 : i32
          %dma_start3A_288 = arith.constant 0 : i32
          %dma_start3A_289 = tpu.memref_slice %arg2[%dma_start3A_287, %dma_start3A_288] : memref<1000000x64xf32, #tpu.memory_space<hbm>> -> memref<1000000x64xf32, #tpu.memory_space<hbm>>
          tpu.enqueue_indirect_dma source(%dma_start3A_289 : memref<1000000x64xf32, #tpu.memory_space<hbm>>) target(%dma_start3A_283 : memref<128x64xf32, #tpu.memory_space<vmem>>) offsets(%dma_start3A_286 : memref<128xi32, #tpu.memory_space<vmem>>) semaphore(%arg13 : memref<!tpu.dma_semaphore, #tpu.memory_space<semaphore_mem>>)
          %dma_start3A_290 = arith.constant 128 : i32
          %dma_start3A_291 = arith.constant 0 : i32
          %dma_start3A_292 = tpu.memref_slice %arg8[%dma_start3A_290, %dma_start3A_291] : memref<200x64xf32, #tpu.memory_space<vmem>> -> memref<72x64xf32, #tpu.memory_space<vmem>>
          %dma_start3A_293 = arith.constant 128 : i32
          %dma_start3A_294 = tpu.memref_slice %arg5[%add3A_280, %dma_start3A_293] : memref<128x200xi32, #tpu.memory_space<vmem>> -> memref<1x72xi32, #tpu.memory_space<vmem>>
          %dma_start3A_295 = tpu.memref_squeeze %dma_start3A_294 : memref<1x72xi32, #tpu.memory_space<vmem>> -> memref<72xi32, #tpu.memory_space<vmem>>
          %dma_start3A_296 = arith.constant 0 : i32
          %dma_start3A_297 = arith.constant 0 : i32
          %dma_start3A_298 = tpu.memref_slice %arg2[%dma_start3A_296, %dma_start3A_297] : memref<1000000x64xf32, #tpu.memory_space<hbm>> -> memref<1000000x64xf32, #tpu.memory_space<hbm>>
          tpu.enqueue_indirect_dma source(%dma_start3A_298 : memref<1000000x64xf32, #tpu.memory_space<hbm>>) target(%dma_start3A_292 : memref<72x64xf32, #tpu.memory_space<vmem>>) offsets(%dma_start3A_295 : memref<72xi32, #tpu.memory_space<vmem>>) semaphore(%arg13 : memref<!tpu.dma_semaphore, #tpu.memory_space<semaphore_mem>>)
        } else {
        }
        %add3A_202 = arith.constant 2 : i32
        %add3A_203 = arith.addi %add3A_102, %add3A_202 : i32
        %broadcast_in_dim3A_204 = arith.constant 0.000000e+00 : f32
        %broadcast_in_dim3A_205 = vector.broadcast %broadcast_in_dim3A_204 : f32 to vector<16xf32>
        %scan3A_206 = arith.constant 0 : i32
        %scan3A_207 = arith.constant 200 : i32
        %scan3A_208 = arith.addi %scan3A_206, %scan3A_207 : i32
        %scan3A_209 = arith.constant 4 : i32
        %scan3A_210:4 = scf.for %scan3A_277 = %scan3A_206 to %scan3A_208 step %scan3A_209 iter_args(%scan3A_278 = %broadcast_in_dim3A_205, %scan3A_279 = %broadcast_in_dim3A_205, %scan3A_280 = %broadcast_in_dim3A_205, %scan3A_281 = %broadcast_in_dim3A_205) -> (vector<16xf32>, vector<16xf32>, vector<16xf32>, vector<16xf32>)  : i32 {
          %get3A = arith.index_cast %scan3A_277 : i32 to index
          %get3A_282 = arith.constant 0 : index
          %get3A_283 = tpu.vector_load %arg8[%get3A, %get3A_282] {strides = array<i32>} : memref<200x64xf32, #tpu.memory_space<vmem>>, vector<1x16xf32>,
          %get3A_284 = vector.shape_cast %get3A_283 : vector<1x16xf32> to vector<16xf32>
          %add3A_285 = arith.addf %scan3A_278, %get3A_284 : vector<16xf32>
          %get3A_286 = arith.index_cast %scan3A_277 : i32 to index
          %get3A_287 = arith.constant 16 : index
          %get3A_288 = tpu.vector_load %arg8[%get3A_286, %get3A_287] {strides = array<i32>} : memref<200x64xf32, #tpu.memory_space<vmem>>, vector<1x16xf32>,
          %get3A_289 = vector.shape_cast %get3A_288 : vector<1x16xf32> to vector<16xf32>
          %add3A_290 = arith.addf %scan3A_279, %get3A_289 : vector<16xf32>
          %get3A_291 = arith.index_cast %scan3A_277 : i32 to index
          %get3A_292 = arith.constant 32 : index
          %get3A_293 = tpu.vector_load %arg8[%get3A_291, %get3A_292] {strides = array<i32>} : memref<200x64xf32, #tpu.memory_space<vmem>>, vector<1x16xf32>,
          %get3A_294 = vector.shape_cast %get3A_293 : vector<1x16xf32> to vector<16xf32>
          %add3A_295 = arith.addf %scan3A_280, %get3A_294 : vector<16xf32>
          %get3A_296 = arith.index_cast %scan3A_277 : i32 to index
          %get3A_297 = arith.constant 48 : index
          %get3A_298 = tpu.vector_load %arg8[%get3A_296, %get3A_297] {strides = array<i32>} : memref<200x64xf32, #tpu.memory_space<vmem>>, vector<1x16xf32>,
          %get3A_299 = vector.shape_cast %get3A_298 : vector<1x16xf32> to vector<16xf32>
          %add3A_300 = arith.addf %scan3A_281, %get3A_299 : vector<16xf32>
          %scan3A_301 = arith.constant 1 : i32
          %scan3A_302 = arith.addi %scan3A_277, %scan3A_301 : i32
          %get3A_303 = arith.index_cast %scan3A_302 : i32 to index
          %get3A_304 = arith.constant 0 : index
          %get3A_305 = tpu.vector_load %arg8[%get3A_303, %get3A_304] {strides = array<i32>} : memref<200x64xf32, #tpu.memory_space<vmem>>, vector<1x16xf32>,
          %get3A_306 = vector.shape_cast %get3A_305 : vector<1x16xf32> to vector<16xf32>
          %add3A_307 = arith.addf %add3A_285, %get3A_306 : vector<16xf32>
          %get3A_308 = arith.index_cast %scan3A_302 : i32 to index
          %get3A_309 = arith.constant 16 : index
          %get3A_310 = tpu.vector_load %arg8[%get3A_308, %get3A_309] {strides = array<i32>} : memref<200x64xf32, #tpu.memory_space<vmem>>, vector<1x16xf32>,
          %get3A_311 = vector.shape_cast %get3A_310 : vector<1x16xf32> to vector<16xf32>
          %add3A_312 = arith.addf %add3A_290, %get3A_311 : vector<16xf32>
          %get3A_313 = arith.index_cast %scan3A_302 : i32 to index
          %get3A_314 = arith.constant 32 : index
          %get3A_315 = tpu.vector_load %arg8[%get3A_313, %get3A_314] {strides = array<i32>} : memref<200x64xf32, #tpu.memory_space<vmem>>, vector<1x16xf32>,
          %get3A_316 = vector.shape_cast %get3A_315 : vector<1x16xf32> to vector<16xf32>
          %add3A_317 = arith.addf %add3A_295, %get3A_316 : vector<16xf32>
          %get3A_318 = arith.index_cast %scan3A_302 : i32 to index
          %get3A_319 = arith.constant 48 : index
          %get3A_320 = tpu.vector_load %arg8[%get3A_318, %get3A_319] {strides = array<i32>} : memref<200x64xf32, #tpu.memory_space<vmem>>, vector<1x16xf32>,
          %get3A_321 = vector.shape_cast %get3A_320 : vector<1x16xf32> to vector<16xf32>
          %add3A_322 = arith.addf %add3A_300, %get3A_321 : vector<16xf32>
          %scan3A_323 = arith.constant 2 : i32
          %scan3A_324 = arith.addi %scan3A_277, %scan3A_323 : i32
          %get3A_325 = arith.index_cast %scan3A_324 : i32 to index
          %get3A_326 = arith.constant 0 : index
          %get3A_327 = tpu.vector_load %arg8[%get3A_325, %get3A_326] {strides = array<i32>} : memref<200x64xf32, #tpu.memory_space<vmem>>, vector<1x16xf32>,
          %get3A_328 = vector.shape_cast %get3A_327 : vector<1x16xf32> to vector<16xf32>
          %add3A_329 = arith.addf %add3A_307, %get3A_328 : vector<16xf32>
          %get3A_330 = arith.index_cast %scan3A_324 : i32 to index
          %get3A_331 = arith.constant 16 : index
          %get3A_332 = tpu.vector_load %arg8[%get3A_330, %get3A_331] {strides = array<i32>} : memref<200x64xf32, #tpu.memory_space<vmem>>, vector<1x16xf32>,
          %get3A_333 = vector.shape_cast %get3A_332 : vector<1x16xf32> to vector<16xf32>
          %add3A_334 = arith.addf %add3A_312, %get3A_333 : vector<16xf32>
          %get3A_335 = arith.index_cast %scan3A_324 : i32 to index
          %get3A_336 = arith.constant 32 : index
          %get3A_337 = tpu.vector_load %arg8[%get3A_335, %get3A_336] {strides = array<i32>} : memref<200x64xf32, #tpu.memory_space<vmem>>, vector<1x16xf32>,
          %get3A_338 = vector.shape_cast %get3A_337 : vector<1x16xf32> to vector<16xf32>
          %add3A_339 = arith.addf %add3A_317, %get3A_338 : vector<16xf32>
          %get3A_340 = arith.index_cast %scan3A_324 : i32 to index
          %get3A_341 = arith.constant 48 : index
          %get3A_342 = tpu.vector_load %arg8[%get3A_340, %get3A_341] {strides = array<i32>} : memref<200x64xf32, #tpu.memory_space<vmem>>, vector<1x16xf32>,
          %get3A_343 = vector.shape_cast %get3A_342 : vector<1x16xf32> to vector<16xf32>
          %add3A_344 = arith.addf %add3A_322, %get3A_343 : vector<16xf32>
          %scan3A_345 = arith.constant 3 : i32
          %scan3A_346 = arith.addi %scan3A_277, %scan3A_345 : i32
          %get3A_347 = arith.index_cast %scan3A_346 : i32 to index
          %get3A_348 = arith.constant 0 : index
          %get3A_349 = tpu.vector_load %arg8[%get3A_347, %get3A_348] {strides = array<i32>} : memref<200x64xf32, #tpu.memory_space<vmem>>, vector<1x16xf32>,
          %get3A_350 = vector.shape_cast %get3A_349 : vector<1x16xf32> to vector<16xf32>
          %add3A_351 = arith.addf %add3A_329, %get3A_350 : vector<16xf32>
          %get3A_352 = arith.index_cast %scan3A_346 : i32 to index
          %get3A_353 = arith.constant 16 : index
          %get3A_354 = tpu.vector_load %arg8[%get3A_352, %get3A_353] {strides = array<i32>} : memref<200x64xf32, #tpu.memory_space<vmem>>, vector<1x16xf32>,
          %get3A_355 = vector.shape_cast %get3A_354 : vector<1x16xf32> to vector<16xf32>
          %add3A_356 = arith.addf %add3A_334, %get3A_355 : vector<16xf32>
          %get3A_357 = arith.index_cast %scan3A_346 : i32 to index
          %get3A_358 = arith.constant 32 : index
          %get3A_359 = tpu.vector_load %arg8[%get3A_357, %get3A_358] {strides = array<i32>} : memref<200x64xf32, #tpu.memory_space<vmem>>, vector<1x16xf32>,
          %get3A_360 = vector.shape_cast %get3A_359 : vector<1x16xf32> to vector<16xf32>
          %add3A_361 = arith.addf %add3A_339, %get3A_360 : vector<16xf32>
          %get3A_362 = arith.index_cast %scan3A_346 : i32 to index
          %get3A_363 = arith.constant 48 : index
          %get3A_364 = tpu.vector_load %arg8[%get3A_362, %get3A_363] {strides = array<i32>} : memref<200x64xf32, #tpu.memory_space<vmem>>, vector<1x16xf32>,
          %get3A_365 = vector.shape_cast %get3A_364 : vector<1x16xf32> to vector<16xf32>
          %add3A_366 = arith.addf %add3A_344, %get3A_365 : vector<16xf32>
          scf.yield %add3A_351, %add3A_356, %add3A_361, %add3A_366 : vector<16xf32>, vector<16xf32>, vector<16xf32>, vector<16xf32>
        }
        %scan3A_211 = arith.constant 200 : i32
        %swap3A_212 = arith.index_cast %add3A_203 : i32 to index
        %swap3A_213 = arith.constant 0 : index
        %swap3A_214 = tpu.vector_load %arg10[%swap3A_212, %swap3A_213] {strides = array<i32>} : memref<128x64xf32, #tpu.memory_space<vmem>>, vector<1x16xf32>,
        %swap3A_215 = vector.shape_cast %swap3A_214 : vector<1x16xf32> to vector<16xf32>
        %swap3A_216 = vector.shape_cast %scan3A_210#0 : vector<16xf32> to vector<1x16xf32>
        tpu.vector_store %arg10[%swap3A_212, %swap3A_213], %swap3A_216 {strides = array<i32>} : memref<128x64xf32, #tpu.memory_space<vmem>>, vector<1x16xf32>,
        %swap3A_217 = arith.index_cast %add3A_203 : i32 to index
        %swap3A_218 = arith.constant 16 : index
        %swap3A_219 = tpu.vector_load %arg10[%swap3A_217, %swap3A_218] {strides = array<i32>} : memref<128x64xf32, #tpu.memory_space<vmem>>, vector<1x16xf32>,
        %swap3A_220 = vector.shape_cast %swap3A_219 : vector<1x16xf32> to vector<16xf32>
        %swap3A_221 = vector.shape_cast %scan3A_210#1 : vector<16xf32> to vector<1x16xf32>
        tpu.vector_store %arg10[%swap3A_217, %swap3A_218], %swap3A_221 {strides = array<i32>} : memref<128x64xf32, #tpu.memory_space<vmem>>, vector<1x16xf32>,
        %swap3A_222 = arith.index_cast %add3A_203 : i32 to index
        %swap3A_223 = arith.constant 32 : index
        %swap3A_224 = tpu.vector_load %arg10[%swap3A_222, %swap3A_223] {strides = array<i32>} : memref<128x64xf32, #tpu.memory_space<vmem>>, vector<1x16xf32>,
        %swap3A_225 = vector.shape_cast %swap3A_224 : vector<1x16xf32> to vector<16xf32>
        %swap3A_226 = vector.shape_cast %scan3A_210#2 : vector<16xf32> to vector<1x16xf32>
        tpu.vector_store %arg10[%swap3A_222, %swap3A_223], %swap3A_226 {strides = array<i32>} : memref<128x64xf32, #tpu.memory_space<vmem>>, vector<1x16xf32>,
        %swap3A_227 = arith.index_cast %add3A_203 : i32 to index
        %swap3A_228 = arith.constant 48 : index
        %swap3A_229 = tpu.vector_load %arg10[%swap3A_227, %swap3A_228] {strides = array<i32>} : memref<128x64xf32, #tpu.memory_space<vmem>>, vector<1x16xf32>,
        %swap3A_230 = vector.shape_cast %swap3A_229 : vector<1x16xf32> to vector<16xf32>
        %swap3A_231 = vector.shape_cast %scan3A_210#3 : vector<16xf32> to vector<1x16xf32>
        tpu.vector_store %arg10[%swap3A_227, %swap3A_228], %swap3A_231 {strides = array<i32>} : memref<128x64xf32, #tpu.memory_space<vmem>>, vector<1x16xf32>,
        %dma_wait3A_232 = arith.constant 0 : i32
        %dma_wait3A_233 = arith.constant 0 : i32
        %dma_wait3A_234 = tpu.memref_slice %arg2[%dma_wait3A_232, %dma_wait3A_233] : memref<1000000x64xf32, #tpu.memory_space<hbm>> -> memref<200x64xf32, #tpu.memory_space<hbm>>
        %dma_wait3A_235 = arith.constant 0 : i32
        %dma_wait3A_236 = arith.constant 0 : i32
        %dma_wait3A_237 = tpu.memref_slice %arg2[%dma_wait3A_235, %dma_wait3A_236] : memref<1000000x64xf32, #tpu.memory_space<hbm>> -> memref<200x64xf32, #tpu.memory_space<hbm>>
        tpu.wait_dma2 semaphore(%arg14 : memref<!tpu.dma_semaphore, #tpu.memory_space<semaphore_mem>>) src(%dma_wait3A_237 : memref<200x64xf32, #tpu.memory_space<hbm>>) dst(%arg9 : memref<200x64xf32, #tpu.memory_space<vmem>>)
        %add3A_238 = arith.constant 4 : i32
        %add3A_239 = arith.addi %add3A_102, %add3A_238 : i32
        %add3A_240 = arith.constant 3 : i32
        %add3A_241 = arith.addi %add3A_239, %add3A_240 : i32
        %lt3A_242 = arith.constant 128 : i32
        %lt3A_243 = arith.cmpi slt, %add3A_241, %lt3A_242 : i32
        %convert_element_type3A_244 = arith.extui %lt3A_243 : i1 to i32
        %cond3A_245 = arith.constant 0 : i32
        %cond3A_246 = arith.cmpi ne, %convert_element_type3A_244, %cond3A_245 : i32
        scf.if %cond3A_246 {
          %add3A_277 = arith.constant 4 : i32
          %add3A_278 = arith.addi %add3A_102, %add3A_277 : i32
          %add3A_279 = arith.constant 3 : i32
          %add3A_280 = arith.addi %add3A_278, %add3A_279 : i32
          %dma_start3A_281 = arith.constant 0 : i32
          %dma_start3A_282 = arith.constant 0 : i32
          %dma_start3A_283 = tpu.memref_slice %arg9[%dma_start3A_281, %dma_start3A_282] : memref<200x64xf32, #tpu.memory_space<vmem>> -> memref<128x64xf32, #tpu.memory_space<vmem>>
          %dma_start3A_284 = arith.constant 0 : i32
          %dma_start3A_285 = tpu.memref_slice %arg5[%add3A_280, %dma_start3A_284] : memref<128x200xi32, #tpu.memory_space<vmem>> -> memref<1x128xi32, #tpu.memory_space<vmem>>
          %dma_start3A_286 = tpu.memref_squeeze %dma_start3A_285 : memref<1x128xi32, #tpu.memory_space<vmem>> -> memref<128xi32, #tpu.memory_space<vmem>>
          %dma_start3A_287 = arith.constant 0 : i32
          %dma_start3A_288 = arith.constant 0 : i32
          %dma_start3A_289 = tpu.memref_slice %arg2[%dma_start3A_287, %dma_start3A_288] : memref<1000000x64xf32, #tpu.memory_space<hbm>> -> memref<1000000x64xf32, #tpu.memory_space<hbm>>
          tpu.enqueue_indirect_dma source(%dma_start3A_289 : memref<1000000x64xf32, #tpu.memory_space<hbm>>) target(%dma_start3A_283 : memref<128x64xf32, #tpu.memory_space<vmem>>) offsets(%dma_start3A_286 : memref<128xi32, #tpu.memory_space<vmem>>) semaphore(%arg14 : memref<!tpu.dma_semaphore, #tpu.memory_space<semaphore_mem>>)
          %dma_start3A_290 = arith.constant 128 : i32
          %dma_start3A_291 = arith.constant 0 : i32
          %dma_start3A_292 = tpu.memref_slice %arg9[%dma_start3A_290, %dma_start3A_291] : memref<200x64xf32, #tpu.memory_space<vmem>> -> memref<72x64xf32, #tpu.memory_space<vmem>>
          %dma_start3A_293 = arith.constant 128 : i32
          %dma_start3A_294 = tpu.memref_slice %arg5[%add3A_280, %dma_start3A_293] : memref<128x200xi32, #tpu.memory_space<vmem>> -> memref<1x72xi32, #tpu.memory_space<vmem>>
          %dma_start3A_295 = tpu.memref_squeeze %dma_start3A_294 : memref<1x72xi32, #tpu.memory_space<vmem>> -> memref<72xi32, #tpu.memory_space<vmem>>
          %dma_start3A_296 = arith.constant 0 : i32
          %dma_start3A_297 = arith.constant 0 : i32
          %dma_start3A_298 = tpu.memref_slice %arg2[%dma_start3A_296, %dma_start3A_297] : memref<1000000x64xf32, #tpu.memory_space<hbm>> -> memref<1000000x64xf32, #tpu.memory_space<hbm>>
          tpu.enqueue_indirect_dma source(%dma_start3A_298 : memref<1000000x64xf32, #tpu.memory_space<hbm>>) target(%dma_start3A_292 : memref<72x64xf32, #tpu.memory_space<vmem>>) offsets(%dma_start3A_295 : memref<72xi32, #tpu.memory_space<vmem>>) semaphore(%arg14 : memref<!tpu.dma_semaphore, #tpu.memory_space<semaphore_mem>>)
        } else {
        }
        %add3A_247 = arith.constant 3 : i32
        %add3A_248 = arith.addi %add3A_102, %add3A_247 : i32
        %broadcast_in_dim3A_249 = arith.constant 0.000000e+00 : f32
        %broadcast_in_dim3A_250 = vector.broadcast %broadcast_in_dim3A_249 : f32 to vector<16xf32>
        %scan3A_251 = arith.constant 0 : i32
        %scan3A_252 = arith.constant 200 : i32
        %scan3A_253 = arith.addi %scan3A_251, %scan3A_252 : i32
        %scan3A_254 = arith.constant 4 : i32
        %scan3A_255:4 = scf.for %scan3A_277 = %scan3A_251 to %scan3A_253 step %scan3A_254 iter_args(%scan3A_278 = %broadcast_in_dim3A_250, %scan3A_279 = %broadcast_in_dim3A_250, %scan3A_280 = %broadcast_in_dim3A_250, %scan3A_281 = %broadcast_in_dim3A_250) -> (vector<16xf32>, vector<16xf32>, vector<16xf32>, vector<16xf32>)  : i32 {
          %get3A = arith.index_cast %scan3A_277 : i32 to index
          %get3A_282 = arith.constant 0 : index
          %get3A_283 = tpu.vector_load %arg9[%get3A, %get3A_282] {strides = array<i32>} : memref<200x64xf32, #tpu.memory_space<vmem>>, vector<1x16xf32>,
          %get3A_284 = vector.shape_cast %get3A_283 : vector<1x16xf32> to vector<16xf32>
          %add3A_285 = arith.addf %scan3A_278, %get3A_284 : vector<16xf32>
          %get3A_286 = arith.index_cast %scan3A_277 : i32 to index
          %get3A_287 = arith.constant 16 : index
          %get3A_288 = tpu.vector_load %arg9[%get3A_286, %get3A_287] {strides = array<i32>} : memref<200x64xf32, #tpu.memory_space<vmem>>, vector<1x16xf32>,
          %get3A_289 = vector.shape_cast %get3A_288 : vector<1x16xf32> to vector<16xf32>
          %add3A_290 = arith.addf %scan3A_279, %get3A_289 : vector<16xf32>
          %get3A_291 = arith.index_cast %scan3A_277 : i32 to index
          %get3A_292 = arith.constant 32 : index
          %get3A_293 = tpu.vector_load %arg9[%get3A_291, %get3A_292] {strides = array<i32>} : memref<200x64xf32, #tpu.memory_space<vmem>>, vector<1x16xf32>,
          %get3A_294 = vector.shape_cast %get3A_293 : vector<1x16xf32> to vector<16xf32>
          %add3A_295 = arith.addf %scan3A_280, %get3A_294 : vector<16xf32>
          %get3A_296 = arith.index_cast %scan3A_277 : i32 to index
          %get3A_297 = arith.constant 48 : index
          %get3A_298 = tpu.vector_load %arg9[%get3A_296, %get3A_297] {strides = array<i32>} : memref<200x64xf32, #tpu.memory_space<vmem>>, vector<1x16xf32>,
          %get3A_299 = vector.shape_cast %get3A_298 : vector<1x16xf32> to vector<16xf32>
          %add3A_300 = arith.addf %scan3A_281, %get3A_299 : vector<16xf32>
          %scan3A_301 = arith.constant 1 : i32
          %scan3A_302 = arith.addi %scan3A_277, %scan3A_301 : i32
          %get3A_303 = arith.index_cast %scan3A_302 : i32 to index
          %get3A_304 = arith.constant 0 : index
          %get3A_305 = tpu.vector_load %arg9[%get3A_303, %get3A_304] {strides = array<i32>} : memref<200x64xf32, #tpu.memory_space<vmem>>, vector<1x16xf32>,
          %get3A_306 = vector.shape_cast %get3A_305 : vector<1x16xf32> to vector<16xf32>
          %add3A_307 = arith.addf %add3A_285, %get3A_306 : vector<16xf32>
          %get3A_308 = arith.index_cast %scan3A_302 : i32 to index
          %get3A_309 = arith.constant 16 : index
          %get3A_310 = tpu.vector_load %arg9[%get3A_308, %get3A_309] {strides = array<i32>} : memref<200x64xf32, #tpu.memory_space<vmem>>, vector<1x16xf32>,
          %get3A_311 = vector.shape_cast %get3A_310 : vector<1x16xf32> to vector<16xf32>
          %add3A_312 = arith.addf %add3A_290, %get3A_311 : vector<16xf32>
          %get3A_313 = arith.index_cast %scan3A_302 : i32 to index
          %get3A_314 = arith.constant 32 : index
          %get3A_315 = tpu.vector_load %arg9[%get3A_313, %get3A_314] {strides = array<i32>} : memref<200x64xf32, #tpu.memory_space<vmem>>, vector<1x16xf32>,
          %get3A_316 = vector.shape_cast %get3A_315 : vector<1x16xf32> to vector<16xf32>
          %add3A_317 = arith.addf %add3A_295, %get3A_316 : vector<16xf32>
          %get3A_318 = arith.index_cast %scan3A_302 : i32 to index
          %get3A_319 = arith.constant 48 : index
          %get3A_320 = tpu.vector_load %arg9[%get3A_318, %get3A_319] {strides = array<i32>} : memref<200x64xf32, #tpu.memory_space<vmem>>, vector<1x16xf32>,
          %get3A_321 = vector.shape_cast %get3A_320 : vector<1x16xf32> to vector<16xf32>
          %add3A_322 = arith.addf %add3A_300, %get3A_321 : vector<16xf32>
          %scan3A_323 = arith.constant 2 : i32
          %scan3A_324 = arith.addi %scan3A_277, %scan3A_323 : i32
          %get3A_325 = arith.index_cast %scan3A_324 : i32 to index
          %get3A_326 = arith.constant 0 : index
          %get3A_327 = tpu.vector_load %arg9[%get3A_325, %get3A_326] {strides = array<i32>} : memref<200x64xf32, #tpu.memory_space<vmem>>, vector<1x16xf32>,
          %get3A_328 = vector.shape_cast %get3A_327 : vector<1x16xf32> to vector<16xf32>
          %add3A_329 = arith.addf %add3A_307, %get3A_328 : vector<16xf32>
          %get3A_330 = arith.index_cast %scan3A_324 : i32 to index
          %get3A_331 = arith.constant 16 : index
          %get3A_332 = tpu.vector_load %arg9[%get3A_330, %get3A_331] {strides = array<i32>} : memref<200x64xf32, #tpu.memory_space<vmem>>, vector<1x16xf32>,
          %get3A_333 = vector.shape_cast %get3A_332 : vector<1x16xf32> to vector<16xf32>
          %add3A_334 = arith.addf %add3A_312, %get3A_333 : vector<16xf32>
          %get3A_335 = arith.index_cast %scan3A_324 : i32 to index
          %get3A_336 = arith.constant 32 : index
          %get3A_337 = tpu.vector_load %arg9[%get3A_335, %get3A_336] {strides = array<i32>} : memref<200x64xf32, #tpu.memory_space<vmem>>, vector<1x16xf32>,
          %get3A_338 = vector.shape_cast %get3A_337 : vector<1x16xf32> to vector<16xf32>
          %add3A_339 = arith.addf %add3A_317, %get3A_338 : vector<16xf32>
          %get3A_340 = arith.index_cast %scan3A_324 : i32 to index
          %get3A_341 = arith.constant 48 : index
          %get3A_342 = tpu.vector_load %arg9[%get3A_340, %get3A_341] {strides = array<i32>} : memref<200x64xf32, #tpu.memory_space<vmem>>, vector<1x16xf32>,
          %get3A_343 = vector.shape_cast %get3A_342 : vector<1x16xf32> to vector<16xf32>
          %add3A_344 = arith.addf %add3A_322, %get3A_343 : vector<16xf32>
          %scan3A_345 = arith.constant 3 : i32
          %scan3A_346 = arith.addi %scan3A_277, %scan3A_345 : i32
          %get3A_347 = arith.index_cast %scan3A_346 : i32 to index
          %get3A_348 = arith.constant 0 : index
          %get3A_349 = tpu.vector_load %arg9[%get3A_347, %get3A_348] {strides = array<i32>} : memref<200x64xf32, #tpu.memory_space<vmem>>, vector<1x16xf32>,
          %get3A_350 = vector.shape_cast %get3A_349 : vector<1x16xf32> to vector<16xf32>
          %add3A_351 = arith.addf %add3A_329, %get3A_350 : vector<16xf32>
          %get3A_352 = arith.index_cast %scan3A_346 : i32 to index
          %get3A_353 = arith.constant 16 : index
          %get3A_354 = tpu.vector_load %arg9[%get3A_352, %get3A_353] {strides = array<i32>} : memref<200x64xf32, #tpu.memory_space<vmem>>, vector<1x16xf32>,
          %get3A_355 = vector.shape_cast %get3A_354 : vector<1x16xf32> to vector<16xf32>
          %add3A_356 = arith.addf %add3A_334, %get3A_355 : vector<16xf32>
          %get3A_357 = arith.index_cast %scan3A_346 : i32 to index
          %get3A_358 = arith.constant 32 : index
          %get3A_359 = tpu.vector_load %arg9[%get3A_357, %get3A_358] {strides = array<i32>} : memref<200x64xf32, #tpu.memory_space<vmem>>, vector<1x16xf32>,
          %get3A_360 = vector.shape_cast %get3A_359 : vector<1x16xf32> to vector<16xf32>
          %add3A_361 = arith.addf %add3A_339, %get3A_360 : vector<16xf32>
          %get3A_362 = arith.index_cast %scan3A_346 : i32 to index
          %get3A_363 = arith.constant 48 : index
          %get3A_364 = tpu.vector_load %arg9[%get3A_362, %get3A_363] {strides = array<i32>} : memref<200x64xf32, #tpu.memory_space<vmem>>, vector<1x16xf32>,
          %get3A_365 = vector.shape_cast %get3A_364 : vector<1x16xf32> to vector<16xf32>
          %add3A_366 = arith.addf %add3A_344, %get3A_365 : vector<16xf32>
          scf.yield %add3A_351, %add3A_356, %add3A_361, %add3A_366 : vector<16xf32>, vector<16xf32>, vector<16xf32>, vector<16xf32>
        }
        %scan3A_256 = arith.constant 200 : i32
        %swap3A_257 = arith.index_cast %add3A_248 : i32 to index
        %swap3A_258 = arith.constant 0 : index
        %swap3A_259 = tpu.vector_load %arg10[%swap3A_257, %swap3A_258] {strides = array<i32>} : memref<128x64xf32, #tpu.memory_space<vmem>>, vector<1x16xf32>,
        %swap3A_260 = vector.shape_cast %swap3A_259 : vector<1x16xf32> to vector<16xf32>
        %swap3A_261 = vector.shape_cast %scan3A_255#0 : vector<16xf32> to vector<1x16xf32>
        tpu.vector_store %arg10[%swap3A_257, %swap3A_258], %swap3A_261 {strides = array<i32>} : memref<128x64xf32, #tpu.memory_space<vmem>>, vector<1x16xf32>,
        %swap3A_262 = arith.index_cast %add3A_248 : i32 to index
        %swap3A_263 = arith.constant 16 : index
        %swap3A_264 = tpu.vector_load %arg10[%swap3A_262, %swap3A_263] {strides = array<i32>} : memref<128x64xf32, #tpu.memory_space<vmem>>, vector<1x16xf32>,
        %swap3A_265 = vector.shape_cast %swap3A_264 : vector<1x16xf32> to vector<16xf32>
        %swap3A_266 = vector.shape_cast %scan3A_255#1 : vector<16xf32> to vector<1x16xf32>
        tpu.vector_store %arg10[%swap3A_262, %swap3A_263], %swap3A_266 {strides = array<i32>} : memref<128x64xf32, #tpu.memory_space<vmem>>, vector<1x16xf32>,
        %swap3A_267 = arith.index_cast %add3A_248 : i32 to index
        %swap3A_268 = arith.constant 32 : index
        %swap3A_269 = tpu.vector_load %arg10[%swap3A_267, %swap3A_268] {strides = array<i32>} : memref<128x64xf32, #tpu.memory_space<vmem>>, vector<1x16xf32>,
        %swap3A_270 = vector.shape_cast %swap3A_269 : vector<1x16xf32> to vector<16xf32>
        %swap3A_271 = vector.shape_cast %scan3A_255#2 : vector<16xf32> to vector<1x16xf32>
        tpu.vector_store %arg10[%swap3A_267, %swap3A_268], %swap3A_271 {strides = array<i32>} : memref<128x64xf32, #tpu.memory_space<vmem>>, vector<1x16xf32>,
        %swap3A_272 = arith.index_cast %add3A_248 : i32 to index
        %swap3A_273 = arith.constant 48 : index
        %swap3A_274 = tpu.vector_load %arg10[%swap3A_272, %swap3A_273] {strides = array<i32>} : memref<128x64xf32, #tpu.memory_space<vmem>>, vector<1x16xf32>,
        %swap3A_275 = vector.shape_cast %swap3A_274 : vector<1x16xf32> to vector<16xf32>
        %swap3A_276 = vector.shape_cast %scan3A_255#3 : vector<16xf32> to vector<1x16xf32>
        tpu.vector_store %arg10[%swap3A_272, %swap3A_273], %swap3A_276 {strides = array<i32>} : memref<128x64xf32, #tpu.memory_space<vmem>>, vector<1x16xf32>,
      }
      %scan3A_96 = arith.constant 32 : i32
      %add3A_97 = arith.addi %mul3A_2, %add3A_11 : i32
      "tpu.region"() ({
        %run_scoped3A = tpu.sem_alloc : memref<!tpu.dma_semaphore, #tpu.memory_space<semaphore_mem>>
        %dma_start3A_98 = arith.constant 0 : i32
        %dma_start3A_99 = tpu.memref_slice %arg4[%add3A_97, %dma_start3A_98] : memref<16384x64xf32, #tpu.memory_space<hbm>> -> memref<128x64xf32, #tpu.memory_space<hbm>>
        %dma_start3A_100 = arith.constant 0 : i32
        %dma_start3A_101 = tpu.memref_slice %arg4[%add3A_97, %dma_start3A_100] : memref<16384x64xf32, #tpu.memory_space<hbm>> -> memref<128x64xf32, #tpu.memory_space<hbm>>
        tpu.enqueue_dma source(%arg10 : memref<128x64xf32, #tpu.memory_space<vmem>>) target(%dma_start3A_101 : memref<128x64xf32, #tpu.memory_space<hbm>>) target_semaphore(%run_scoped3A : memref<!tpu.dma_semaphore, #tpu.memory_space<semaphore_mem>>)
        %dma_wait3A = arith.constant 0 : i32
        %dma_wait3A_102 = tpu.memref_slice %arg4[%add3A_97, %dma_wait3A] : memref<16384x64xf32, #tpu.memory_space<hbm>> -> memref<128x64xf32, #tpu.memory_space<hbm>>
        %dma_wait3A_103 = arith.constant 0 : i32
        %dma_wait3A_104 = tpu.memref_slice %arg4[%add3A_97, %dma_wait3A_103] : memref<16384x64xf32, #tpu.memory_space<hbm>> -> memref<128x64xf32, #tpu.memory_space<hbm>>
        tpu.wait_dma2 semaphore(%run_scoped3A : memref<!tpu.dma_semaphore, #tpu.memory_space<semaphore_mem>>) src(%arg10 : memref<128x64xf32, #tpu.memory_space<vmem>>) dst(%dma_wait3A_104 : memref<128x64xf32, #tpu.memory_space<hbm>>)
        tpu.yield
      }) : () -> ()
    }
    %scan3A_6 = arith.constant 4 : i32
    return
  }
}

module attributes {stable_mosaic.version = 14 : i64} {
  func.func @body(%arg0: i32, %arg1: memref<1024x64xf32, #tpu.memory_space<vmem>>, %arg2: memref<128x64xf32, #tpu.memory_space<vmem>>, %arg3: memref<1x128xf32, #tpu.memory_space<vmem>>, %arg4: memref<1000x128xf32, #tpu.memory_space<vmem>>, %arg5: memref<1x1000xf32, #tpu.memory_space<vmem>>, %arg6: memref<1024x1000xf32, #tpu.memory_space<vmem>>) attributes {dimension_semantics = [#tpu.dimension_semantics<arbitrary>], iteration_bounds = array<i64: 16>, scalar_prefetch = 0 : i64, scratch_operands = 0 : i64, tpu.core_type = #tpu.core_type<tc>, window_params = [{transform_indices = @transform_0, window_bounds = array<i64: 1024, 64>}, {pipeline_mode = #tpu.pipeline_mode<synchronous>, transform_indices = @transform_1, window_bounds = array<i64: 128, 64>}, {pipeline_mode = #tpu.pipeline_mode<synchronous>, transform_indices = @transform_2, window_bounds = array<i64: 1, 128>}, {pipeline_mode = #tpu.pipeline_mode<synchronous>, transform_indices = @transform_3, window_bounds = array<i64: 1000, 128>}, {pipeline_mode = #tpu.pipeline_mode<synchronous>, transform_indices = @transform_4, window_bounds = array<i64: 1, 1000>}, {transform_indices = @transform_5, window_bounds = array<i64: 1024, 1000>}]} {
    %get3A = arith.constant 0 : index
    %get3A_0 = arith.constant 0 : index
    %get3A_1 = vector.load %arg1[%get3A, %get3A_0] : memref<1024x64xf32, #tpu.memory_space<vmem>>, vector<1024x64xf32>
    %tanh3A = math.tanh %get3A_1 : vector<1024x64xf32>
    %get3A_2 = arith.constant 0 : index
    %get3A_3 = arith.constant 0 : index
    %get3A_4 = vector.load %arg2[%get3A_2, %get3A_3] : memref<128x64xf32, #tpu.memory_space<vmem>>, vector<128x64xf32>
    %dot_general3A = arith.constant dense<0.000000e+00> : vector<1024x128xf32>
    %dot_general3A_5 = tpu.matmul %tanh3A, %get3A_4, %dot_general3A {dimension_numbers = #tpu.dot_dimension_numbers<[1], [1], [0], [0], [0, 0, 1, 0], [], []>, precision = #tpu.contract_precision<fp32>, transpose_lhs_hint = false} : vector<1024x64xf32>, vector<128x64xf32>, vector<1024x128xf32> -> vector<1024x128xf32>
    %get3A_6 = arith.constant 0 : index
    %get3A_7 = arith.constant 0 : index
    %get3A_8 = vector.load %arg3[%get3A_6, %get3A_7] : memref<1x128xf32, #tpu.memory_space<vmem>>, vector<1x128xf32>
    %add3A = vector.broadcast %get3A_8 : vector<1x128xf32> to vector<1024x128xf32>
    %add3A_9 = arith.addf %dot_general3A_5, %add3A : vector<1024x128xf32>
    %tanh3A_10 = math.tanh %add3A_9 : vector<1024x128xf32>
    %get3A_11 = arith.constant 0 : index
    %get3A_12 = arith.constant 0 : index
    %get3A_13 = vector.load %arg4[%get3A_11, %get3A_12] : memref<1000x128xf32, #tpu.memory_space<vmem>>, vector<1000x128xf32>
    %dot_general3A_14 = arith.constant dense<0.000000e+00> : vector<1024x1000xf32>
    %dot_general3A_15 = tpu.matmul %tanh3A_10, %get3A_13, %dot_general3A_14 {dimension_numbers = #tpu.dot_dimension_numbers<[1], [1], [0], [0], [0, 0, 1, 0], [], []>, precision = #tpu.contract_precision<fp32>, transpose_lhs_hint = false} : vector<1024x128xf32>, vector<1000x128xf32>, vector<1024x1000xf32> -> vector<1024x1000xf32>
    %get3A_16 = arith.constant 0 : index
    %get3A_17 = arith.constant 0 : index
    %get3A_18 = vector.load %arg5[%get3A_16, %get3A_17] : memref<1x1000xf32, #tpu.memory_space<vmem>>, vector<1x1000xf32>
    %add3A_19 = vector.broadcast %get3A_18 : vector<1x1000xf32> to vector<1024x1000xf32>
    %add3A_20 = arith.addf %dot_general3A_15, %add3A_19 : vector<1024x1000xf32>
    %tanh3A_21 = math.tanh %add3A_20 : vector<1024x1000xf32>
    %swap3A = arith.constant 0 : index
    %swap3A_22 = arith.constant 0 : index
    %swap3A_23 = vector.load %arg6[%swap3A, %swap3A_22] : memref<1024x1000xf32, #tpu.memory_space<vmem>>, vector<1024x1000xf32>
    tpu.vector_store %arg6[%swap3A, %swap3A_22], %tanh3A_21 {strides = array<i32>} : memref<1024x1000xf32, #tpu.memory_space<vmem>>, vector<1024x1000xf32>,
    return
  }
  func.func @transform_0(%arg0: i32) -> (i32, i32) {
    %c0_i32 = arith.constant 0 : i32
    %c0_i32_0 = arith.constant 0 : i32
    return %arg0, %c0_i32 : i32, i32
  }
  func.func @transform_1(%arg0: i32) -> (i32, i32) {
    %c0_i32 = arith.constant 0 : i32
    %c0_i32_0 = arith.constant 0 : i32
    %c0_i32_1 = arith.constant 0 : i32
    return %c0_i32, %c0_i32_0 : i32, i32
  }
  func.func @transform_2(%arg0: i32) -> (i32, i32) {
    %c0_i32 = arith.constant 0 : i32
    %c0_i32_0 = arith.constant 0 : i32
    %c0_i32_1 = arith.constant 0 : i32
    return %c0_i32, %c0_i32_0 : i32, i32
  }
  func.func @transform_3(%arg0: i32) -> (i32, i32) {
    %c0_i32 = arith.constant 0 : i32
    %c0_i32_0 = arith.constant 0 : i32
    %c0_i32_1 = arith.constant 0 : i32
    return %c0_i32, %c0_i32_0 : i32, i32
  }
  func.func @transform_4(%arg0: i32) -> (i32, i32) {
    %c0_i32 = arith.constant 0 : i32
    %c0_i32_0 = arith.constant 0 : i32
    %c0_i32_1 = arith.constant 0 : i32
    return %c0_i32, %c0_i32_0 : i32, i32
  }
  func.func @transform_5(%arg0: i32) -> (i32, i32) {
    %c0_i32 = arith.constant 0 : i32
    %c0_i32_0 = arith.constant 0 : i32
    return %arg0, %c0_i32 : i32, i32
  }
}

</mosaic_0001>

<sc_bundles>
// kernel: kernel.4.cloned.1.call-start
scs
__scs_entry_jumppad:
0x0: {  	(pc) =	sbr.rel $0x88, $3  }
0x1: {  	(tag) =	ssettag $0x0;
	lr =	simm.s32 $0x1  }
0x2: {  	[smem:$0x3F9B] =	sst lr;
	_ =	strace $0xD0000000  }
0x3: {  	_ = 	snop  }
0x4: {  	_ = 	snop  }
0x5: {  	_ = 	snop  }
0x6: {  	_ = 	snop  }
0x7: {  	_ = 	snop  }
__scs_overlays_trampoline_lowered:
0x8: {  	[smem:$0x3FAA] =	sst s0  }
0x9: {  	[smem:$0x3FAB] =	sst s1  }
0xa: {  	[smem:$0x3FAC] =	sst s2  }
0xb: {  	[smem:$0x3FAD] =	sst s3  }
0xc: {  	[smem:$0x3FAE] =	sst s4  }
0xd: {  	[smem:$0x3FAF] =	sst s5  }
0xe: {  	[smem:$0x3FB0] =	sst s6  }
0xf: {  	[smem:$0x3FB1] =	sst s7  }
0x10: {  	[smem:$0x3FB2] =	sst s8  }
0x11: {  	[smem:$0x3FB3] =	sst s9;
	s0 =	simm.s32 @!p0 $0x0  }
0x12: {  	s1 =	sld [smem:$0x3F99];
	s0 =	simm.s32 @p0 $0x1  }
0x13: {  	[smem:$0x3FB4] =	sst s0;
	s0 =	simm.s32 @!p1 $0x0  }
0x14: {  	s2 =	sld [smem:$0x3F98];
	s0 =	simm.s32 @p1 $0x1  }
0x15: {  	[smem:$0x3FB5] =	sst s0;
	s0 =	simm.s32 @!p2 $0x0  }
0x16: {  	s3 =	sld [smem:$0x3FDB];
	s0 =	simm.s32 @p2 $0x1  }
0x17: {  	s4 =	simm.s32 $0x1BF5;
	[smem:$0x3FB7] =	sst s0  }
0x18: {  	s0 =	sld [smem:$0x3F9A];
	_ =	swait.ge [sflag:s4], $0x0  }
0x19: {  	s7 =	sld [smem:$0x3F9B]  }
0x1a: {  	s8 =	sadd.s32 $0xFFFFE003, lr  }
0x1b: {  	s9 =	sadd.s32 $0xFFFFFEF7, lr;
	s5 =	simm.s32 $0xFFFFFFFF;
	p2 =	slt.u32 s8, $0xFFFFF086  }
0x1c: {  	p1 =	slt.u32 s9, $0xF7A;
	s5 =	simm.s32 @!p2 $0x0  }
0x1d: {  	s5 =	simm.s32 @p1 $0x1;
	p0 =	seq.s32 s7, s2  }
0x1e: {  	s7 =	smul.u32 @!p0 $0xF7A, s2;
	p2 =	seq.s32 @!p0 s5, $0x0  }
0x1f: {  	s9 =	smul.u32 $0xF7A, s1;
	s8 =	simm.s32 @!p0 $0x1BF5;
	p2 =	por !p2, p0  }
0x20: {  	[sflag:s8] =	ssyncset.s32 @!p0 $0xFFFFF086;
	s6 =	sadd.s32 @!p0 s3, s7;
	s7 =	simm.s32 @!p0 $0x108  }
0x21: {  	s3 =	sadd.s32 s3, s9;
	s6 =	sadd.s32 @!p0 $0x88, s6;
	s7 =	simm.s32 @p2 $0x1082  }
0x22: {  	[simem:s7], [sflag:s8] =	dma.local @!p0 [hbm:s6], $0xF7A  }
0x23: {  	s9 =	sor.u32 $0xD0000000, s2;
	s6 =	simm.s32 $0x108;
	_ =	swait.ge @!p0 [sflag:s8], $0x0  }
0x24: {  	s3 =	sadd.s32 $0x88, s3;
	s6 =	simm.s32 @!p1 $0x1082;
	[sflag:s4] =	ssyncset.s32 $0xFFFFF086  }
0x25: {  	[simem:s6], [sflag:s4] =	dma.local [hbm:s3], $0xF7A  }
0x26: {  	[smem:$0x3F9B] =	sst s1;
	(tag) =	ssettag s2;
	_ =	strace s9  }
0x27: {  	s1 =	sld [smem:$0x3FAB]  }
0x28: {  	s2 =	sld [smem:$0x3FAC]  }
0x29: {  	s4 =	sld [smem:$0x3FAE]  }
0x2a: {  	p0 =	seq.s32 s5, $0x0;
	s5 =	sld [smem:$0x3FAF]  }
0x2b: {  	s6 =	sld [smem:$0x3FB0]  }
0x2c: {  	s7 =	sld [smem:$0x3FB1]  }
0x2d: {  	s3 =	simm.s32 $0x108;
	s8 =	sld [smem:$0x3FB2]  }
0x2e: {  	s3 =	simm.s32 @!p0 $0x1082;
	s9 =	sld [smem:$0x3FB3]  }
0x2f: {  	lr =	sadd.s32 s0, s3;
	s0 =	sld [smem:$0x3FAA]  }
0x30: {  	s3 =	sld [smem:$0x3FAD]  }
0x31: {  	[smem:$0x3FB6] =	sst s10  }
0x32: {  	s10 =	sld [smem:$0x3FB4];
	_ =	sdelay $0x3  }
0x33: {  	p0 =	seq.s32 s10, $0x1;
	s10 =	sld [smem:$0x3FB6];
	_ =	sdelay $0x3  }
0x34: {  	[smem:$0x3FB6] =	sst s10  }
0x35: {  	s10 =	sld [smem:$0x3FB5];
	_ =	sdelay $0x3  }
0x36: {  	p1 =	seq.s32 s10, $0x1;
	s10 =	sld [smem:$0x3FB6];
	_ =	sdelay $0x3  }
0x37: {  	[smem:$0x3FB6] =	sst s10  }
0x38: {  	s10 =	sld [smem:$0x3FB7]  }
0x39: {  	_ = 	snop;
	(pc) =	sbr.ind lr, $3  }
0x3a: {  	_ = 	snop  }
0x3b: {  	_ = 	snop  }
0x3c: {  	p2 =	seq.s32 s10, $0x1;
	s10 =	sld [smem:$0x3FB6]  }
0x3d: {  	_ =	shalt  }
0x3e: {  	_ =	shalt  }
0x3f: {  	_ =	shalt  }
0x40: {  	_ =	shalt  }
0x41: {  	_ =	shalt  }
0x42: {  	_ =	shalt  }
0x43: {  	_ =	shalt  }
0x44: {  	_ =	shalt  }
0x45: {  	_ =	shalt  }
0x46: {  	_ =	shalt  }
0x47: {  	_ =	shalt  }
0x48: {  	_ =	shalt  }
0x49: {  	_ =	shalt  }
0x4a: {  	_ =	shalt  }
0x4b: {  	_ =	shalt  }
0x4c: {  	_ =	shalt  }
0x4d: {  	_ =	shalt  }
0x4e: {  	_ =	shalt  }
0x4f: {  	_ =	shalt  }
0x50: {  	_ =	shalt  }
0x51: {  	_ =	shalt  }
0x52: {  	_ =	shalt  }
0x53: {  	_ =	shalt  }
0x54: {  	_ =	shalt  }
0x55: {  	_ =	shalt  }
0x56: {  	_ =	shalt  }
0x57: {  	_ =	shalt  }
0x58: {  	_ =	shalt  }
0x59: {  	_ =	shalt  }
0x5a: {  	_ =	shalt  }
0x5b: {  	_ =	shalt  }
0x5c: {  	_ =	shalt  }
0x5d: {  	_ =	shalt  }
0x5e: {  	_ =	shalt  }
0x5f: {  	_ =	shalt  }
0x60: {  	_ =	shalt  }
0x61: {  	_ =	shalt  }
0x62: {  	_ =	shalt  }
0x63: {  	_ =	shalt  }
0x64: {  	_ =	shalt  }
0x65: {  	_ =	shalt  }
0x66: {  	_ =	shalt  }
0x67: {  	_ =	shalt  }
0x68: {  	_ =	shalt  }
0x69: {  	_ =	shalt  }
0x6a: {  	_ =	shalt  }
0x6b: {  	_ =	shalt  }
0x6c: {  	_ =	shalt  }
0x6d: {  	_ =	shalt  }
0x6e: {  	_ =	shalt  }
0x6f: {  	_ =	shalt  }
0x70: {  	_ =	shalt  }
0x71: {  	_ =	shalt  }
0x72: {  	_ =	shalt  }
0x73: {  	_ =	shalt  }
0x74: {  	_ =	shalt  }
0x75: {  	_ =	shalt  }
0x76: {  	_ =	shalt  }
0x77: {  	_ =	shalt  }
0x78: {  	_ =	shalt  }
0x79: {  	_ =	shalt  }
0x7a: {  	_ =	shalt  }
0x7b: {  	_ =	shalt  }
0x7c: {  	_ =	shalt  }
0x7d: {  	_ =	shalt  }
0x7e: {  	_ =	shalt  }
0x7f: {  	_ =	shalt  }
0x80: {  	_ =	shalt  }
0x81: {  	_ =	shalt  }
0x82: {  	_ =	shalt  }
0x83: {  	_ =	shalt  }
0x84: {  	_ =	shalt  }
0x85: {  	_ =	shalt  }
0x86: {  	_ =	shalt  }
0x87: {  	_ =	shalt  }
.Lfunc_end0:
.L_simem_size_0:
called_computation_lowered:
.L_overlay_start_0:
0x88: {  	s2 =	sld [smem:$0x3FD9]  }
0x89: {  	s3 =	sld [smem:$0x3FFE];
	_ =	sdelay $0x1  }
0x8a: {  	s1 =	srdreg.scid  }
0x8b: {  	s0 =	sand.u32 $0x1, s1  }
0x8c: {  	s17 =	sshll.u32 s0, $0xA;
	s2 =	sadd.s32 s3, s2  }
0x8d: {  	s2 =	sadd.s32 s2, s17  }
0x8e: {  	[smem:$0x3FC2] =	sst s2  }
0x8f: {  	_ = 	snop  }
0x90: {  	s2 =	sld [smem:$0x3FD0];
	(tm) =	ssettm $0x1  }
0x91: {  	s18 =	sld [smem:$0x3FFB];
	_ =	sdelay $0x3  }
0x92: {  	_ =	strace s18  }
0x93: {  	s3 =	sld [smem:$0x3FFC];
	_ =	sdelay $0x3  }
0x94: {  	_ =	strace s3  }
0x95: {  	s3 =	sld [smem:$0x3FFD];
	_ =	sdelay $0x3  }
0x96: {  	_ =	strace s3  }
0x97: {  	_ =	strace $0x8FFFFFFF  }
0x98: {  	s19 =	sld [smem:$0x3FDB];
	_ =	sdelay $0x1  }
0x99: {  	s4 =	simm.s32 $_scs_section_size  }
0x9a: {  	s5 =	simm.s32 $_size__tile_overlayer_lowered;
	s6 =	simm.s32 $_tile_overlayer_lowered  }
0x9b: {  	s22 =	simm.s32 $0x1BFF;
	s21 =	sshll.u32 s6, $0x1;
	s3 =	sadd.s32 s4, s19  }
0x9c: {  	s7 =	simm.s32 $0x0;
	s20 =	sshll.u32 s5, $0x1;
	s5 =	sadd.s32 s21, s3  }
0x9d: {  	[timem:s7], [sflag:s22] =	dma.local [hbm:s5], s20  }
0x9e: {  	_ =	swait.ge [sflag:s22], s20  }
0x9f: {  	s4 =	ssub.s32 $0x0, s20;
	[sflag:s22] =	ssyncset.done $0x0  }
0xa0: {  	[sflag:s22] =	ssyncadd.s32 s4;
	_ =	sdelay $0x1  }
0xa1: {  	s23 =	simm.s32 $0x1B8B  }
0xa2: {  	_ =	swait.ge [sflag:s23], $0x1  }
0xa3: {  	[sflag:s23] =	ssyncset.done $0x0  }
0xa4: {  	s25 =	simm.s32 $0x1B8E;
	s24 =	sld [smem:$0x3FFE];
	[sflag:s23] =	ssyncadd.s32 $0xFFFFFFFF  }
0xa5: {  	s26 =	simm.s32 $execute0_lowered;
	[smem:$0x3FD2] =	sst s25  }
0xa6: {  	s5 =	sshll.u32 s26, $0x1;
	_ =	strace $0x80000046;
	[dreg:$0x1] =	wrdreg $0xFFFFFFFF  }
0xa7: {  	s28 =	simm.s32 $_size_execute0_lowered;
	s3 =	sadd.s32 s3, s5;
	[dreg:$0x0] =	wrdreg $0x0  }
0xa8: {  	s5 =	sshll.u32 s28, $0x1;
	[dreg:$0x2] =	wrdreg s3  }
0xa9: {  	[dreg:$0x3] =	wrdreg s5  }
0xaa: {  	[dreg:$0x4] =	wrdreg $0xC0  }
0xab: {  	_ =	task [dreg:s7], $0x5FFFF  }
0xac: {  	[dreg:$0x1] =	wrdreg $0xFFFFFFFF  }
0xad: {  	[dreg:$0x0] =	wrdreg $0x60  }
0xae: {  	[dreg:$0x2] =	wrdreg s24  }
0xaf: {  	[dreg:$0x3] =	wrdreg s2  }
0xb0: {  	[dreg:$0x4] =	wrdreg $0x9  }
0xb1: {  	_ =	task.clear_ibuf [dreg:s7], $0x5FFFF;
	_ =	strace $0x90000046  }
0xb2: {  	s29 =	simm.s32 $0x9;
	_ =	strace $0x80000048  }
0xb3: {  	_ =	swait.ge [sflag:s29], $0x1  }
0xb4: {  	[sflag:s29] =	ssyncadd.s32 $0xFFFFFFFF  }
0xb5: {  	_ =	strace $0x90000048  }
0xb6: {  	_ =	sfence  }
0xb7: {  	s30 =	sld [smem:$0x0];
	_ =	sdelay $0x2  }
0xb8: {  	s31 =	sshll.u32 s1, $0xD;
	s1 =	sshrl.u32 s1, $0x2  }
0xb9: {  	s3 =	sand.u32 $0x4000, s31;
	s1 =	sadd.s32 s1, s30  }
0xba: {  	s0 =	sor.u32 s3, s0;
	s1 =	sshll.u32 s1, $0x11  }
0xbb: {  	s0 =	sor.u32 s1, s0  }
0xbc: {  	s0 =	sadd.s32 $0x8F2B, s0  }
0xbd: {  	[sflag:s0] =	ssyncadd.remote.s32 $0x1  }
0xbe: {  	_ =	sfence.sel $0xFFFF  }
0xbf: {  	[dreg:$0x0] =	wrdreg $0xFFFFFFFF;
	(pc) =	sbr.abs _section_cstart, $3  }
0xc0: {  	[dreg:$0x1] =	wrdreg $0xFFFFFFFF  }
0xc1: {  	_ =	task.clear_ibuf [dreg:s7], $0x2FFFF;
	_ =	strace $0x9FFFFFFF  }
0xc2: {  	(tm) =	ssettm $0x7FFFFFFF  }
0xc3: {  	_ =	shalt  }
tec
execute0_lowered:
.L_overlay_start_1:
0x0: {  	(tag) =	ssettag $0x1  }
0x1: {  	s0 =	rddreg [dreg:$0x0];
	s1 =	simm.s32 $0x0  }
0x2: {  	s26 =	srdreg.scid;
	s5 =	stileid.u32;
	s8 =	simm.s32 $0x5  }
0x3: {  	s9 =	simm.s32 $0x80;
	s11 =	simm.s32 $0x48;
	s13 =	simm.s32 $0xC8  }
0x4: {  	s14 =	simm.s32 $0x9600;
	s15 =	simm.s32 $0x148;
	s16 =	simm.s32 $0xB600  }
0x5: {  	s17 =	simm.s32 $0x190;
	s18 =	simm.s32 $0xC800;
	s19 =	simm.s32 $0x210  }
0x6: {  	s20 =	simm.s32 $0xE800;
	s21 =	simm.s32 $0x258;
	s22 =	simm.s32 $0xFA00  }
0x7: {  	s23 =	simm.s32 $0x2D8;
	s24 =	simm.s32 $0x11A00;
	s25 =	simm.s32 $0x1  }
0x8: {  	s28 =	simm.s32 $0x3;
	[smem:$0x7FF] =	sst s1;
	s1 =	sand.u32 $0x1, s26  }
0x9: {  	s29 =	simm.s32 $0x4;
	s30 =	simm.s32 $0x12C00;
	s2 =	ssub.s32 $0x2, s1  }
0xa: {  	s4 =	sadd.s32 $0xF43200, s0;
	s6 =	sshll.u32 s5, $0xA;
	s3 =	sshrl.u32 s2, $0x1  }
0xb: {  	s5 =	sadd.s32 $0xE00, s0;
	s26 =	simm.s32 $0x2;
	s31 =	ssub.s32 s2, s3  }
0xc: {  	_ =	strace $0x80000047;
	s1 =	sshll.u32 s1, $0x9;
	s0 =	smax.u32 s31, $0x1  }
0xd: {  	s6 =	sor.u32 s1, s6;
	s1 =	simm.s32 $0x0;
	[dreg:$0x3] =	wrdreg s0  }
.LBB2_1:
0xe: {  	[dreg:$0x4] =	wrdreg s1;
	s0 =	simm.s32 $0x0  }
.LBB2_2:
0xf: {  	s1 =	sshll.u32 s0, $0x7  }
0x10: {  	s3 =	sadd.s32 s6, s1  }
0x11: {  	s1 =	smul.u32 $0x19, s3  }
0x12: {  	s2 =	rddreg [dreg:$0x1]  }
0x13: {  	s7 =	simm.s32 $0x0;
	s1 =	sadd.s32 s2, s1  }
0x14: {  	[tilespmem:s7], [sflag:$0x5] =	stream.linear.gather [hbm4b:s1+s7], $0x6400, $0x38;
	[tilespmem:$0x14C00] =	vst v63  }
0x15: {  	_ =	swait.ge [sflag:s8], $0x6400  }
0x16: {  	[sflag:s8] =	ssyncset.done $0x0  }
0x17: {  	s12 =	simm.s32 $0x6400;
	[sflag:s8] =	ssyncadd.s32 $0xFFFF9C00  }
0x18: {  	[tilespmem:s12], [sflag:$0x1] =	stream.indirect.gather [hbm4b:s4+s9], $0x40, s7, s9, $0xb8;
	[tilespmem:$0x14C00] =	vst v63  }
0x19: {  	s31 =	simm.s32 $0x8400  }
0x1a: {  	[tilespmem:s31], [sflag:$0x1] =	stream.indirect.gather [hbm4b:s4+s11], $0x40, s9, s11, $0xb8;
	[tilespmem:$0x14C00] =	vst v63  }
0x1b: {  	_ = 	snop  }
0x1c: {  	[tilespmem:s14], [sflag:$0x2] =	stream.indirect.gather [hbm4b:s4+s9], $0x40, s13, s9, $0xb8;
	[tilespmem:$0x14C00] =	vst v63  }
0x1d: {  	_ = 	snop  }
0x1e: {  	[tilespmem:s16], [sflag:$0x2] =	stream.indirect.gather [hbm4b:s4+s11], $0x40, s15, s11, $0xb8;
	[tilespmem:$0x14C00] =	vst v63  }
0x1f: {  	_ = 	snop  }
0x20: {  	[tilespmem:s18], [sflag:$0x3] =	stream.indirect.gather [hbm4b:s4+s9], $0x40, s17, s9, $0xb8;
	[tilespmem:$0x14C00] =	vst v63  }
0x21: {  	_ = 	snop  }
0x22: {  	[tilespmem:s20], [sflag:$0x3] =	stream.indirect.gather [hbm4b:s4+s11], $0x40, s19, s11, $0xb8;
	[tilespmem:$0x14C00] =	vst v63  }
0x23: {  	_ = 	snop  }
0x24: {  	[tilespmem:s22], [sflag:$0x4] =	stream.indirect.gather [hbm4b:s4+s9], $0x40, s21, s9, $0xb8;
	[tilespmem:$0x14C00] =	vst v63  }
0x25: {  	_ = 	snop  }
0x26: {  	[tilespmem:s24], [sflag:$0x4] =	stream.indirect.gather [hbm4b:s4+s11], $0x40, s23, s11, $0xb8;
	[tilespmem:$0x14C00] =	vst v63  }
.LBB2_3:
0x27: {  	p0 =	seq.s32 s7, $0x1F  }
0x28: {  	s1 =	smul.u32 @!p0 $0xC80, s7  }
0x29: {  	_ =	swait.ge [sflag:s25], $0x3200;
	s12 =	simm.s32 $0x6480  }
0x2a: {  	[sflag:s25] =	ssyncset.done $0x0;
	s10 =	simm.s32 @!p0 $0x80;
	s1 =	sshra.s32 @!p0 s1, $0x2  }
0x2b: {  	s31 =	simm.s32 @!p0 $0x6400;
	[sflag:s25] =	ssyncadd.s32 $0xFFFFCE00;
	s2 =	sadd.s32 @!p0 $0x320, s1  }
0x2c: {  	[tilespmem:s31], [sflag:$0x1] =	stream.indirect.gather @!p0 [hbm4b:s4+s10], $0x40, s2, s10, $0xb8;
	[tilespmem:$0x14C00] =	vst v63  }
0x2d: {  	s2 =	sadd.s32 @!p0 $0x3A0, s1;
	s10 =	simm.s32 @!p0 $0x48;
	s31 =	simm.s32 @!p0 $0x8400  }
0x2e: {  	[tilespmem:s31], [sflag:$0x1] =	stream.indirect.gather @!p0 [hbm4b:s4+s10], $0x40, s2, s10, $0xb8;
	[tilespmem:$0x14C00] =	vst v63  }
0x2f: {  	v0 =	vld [tilespmem:s12+$0x40]  }
0x30: {  	v1 =	vld [tilespmem:s12+$0x50]  }
0x31: {  	v2 =	vld [tilespmem:s12+$0x0]  }
0x32: {  	v3 =	vld [tilespmem:s12+$0x10]  }
0x33: {  	v9 =	vld [tilespmem:s12+$0xFFFFFFC0]  }
0x34: {  	v12 =	vld [tilespmem:s12+$0xFFFFFFD0]  }
0x35: {  	v5 =	vld [tilespmem:s12+$0xFFFFFF80]  }
0x36: {  	v6 =	vld [tilespmem:s12+$0xFFFFFF90]  }
0x37: {  	v10 =	vld [tilespmem:s12+$0xFFFFFFA0]  }
0x38: {  	v13 =	vld [tilespmem:s12+$0xFFFFFFB0]  }
0x39: {  	v7 =	vld [tilespmem:s12+$0xFFFFFFE0]  }
0x3a: {  	v8 =	vld [tilespmem:s12+$0xFFFFFFF0]  }
0x3b: {  	v14 =	vimm.f32 $0.0e+00;
	v4 =	vld [tilespmem:s12+$0x20]  }
0x3c: {  	v15 =	vadd.f32 v5, v14;
	v16 =	vadd.f32 v6, v14;
	v6 =	vld [tilespmem:s12+$0x30]  }
0x3d: {  	v11 =	vadd.f32 v10, v14;
	v10 =	vadd.f32 v13, v14;
	v5 =	vld [tilespmem:s12+$0x60]  }
0x3e: {  	s31 =	simm.s32 $0x0;
	s2 =	simm.s32 $0x6580;
	v13 =	vadd.f32 v9, v15;
	v12 =	vadd.f32 v12, v16;
	v9 =	vld [tilespmem:s12+$0x70]  }
.LBB2_4:
0x3f: {  	v14 =	vld [tilespmem:s2+$0x40];
	v7 =	vadd.f32 v7, v11;
	v8 =	vadd.f32 v8, v10  }
0x40: {  	v10 =	vld [tilespmem:s2+$0x50];
	v11 =	vadd.f32 v2, v13;
	v12 =	vadd.f32 v3, v12  }
0x41: {  	v2 =	vld [tilespmem:s2+$0x0];
	v4 =	vadd.f32 v4, v7;
	v6 =	vadd.f32 v6, v8  }
0x42: {  	v3 =	vld [tilespmem:s2+$0x10];
	v11 =	vadd.f32 v0, v11;
	v12 =	vadd.f32 v1, v12  }
0x43: {  	v13 =	vld [tilespmem:s2+$0xFFFFFFC0];
	v5 =	vadd.f32 v5, v4;
	v9 =	vadd.f32 v9, v6  }
0x44: {  	v15 =	vld [tilespmem:s2+$0xFFFFFFD0];
	v0 =	vmov v14  }
0x45: {  	v6 =	vld [tilespmem:s2+$0xFFFFFF80];
	v1 =	vmov v10  }
0x46: {  	v10 =	vld [tilespmem:s2+$0xFFFFFF90]  }
0x47: {  	v14 =	vld [tilespmem:s2+$0xFFFFFFA0]  }
0x48: {  	s31 =	sadd.s32 $0x4, s31;
	v16 =	vld [tilespmem:s2+$0xFFFFFFB0]  }
0x49: {  	p1 =	slt.u32 s31, $0xC4;
	v7 =	vld [tilespmem:s2+$0xFFFFFFE0]  }
.Ltmp0:
0x4a: {  	v8 =	vld [tilespmem:s2+$0xFFFFFFF0];
	(pc) =	sbr.rel @p1 .LBB2_4-.Ltmp0, $4  }
0x4b: {  	v4 =	vld [tilespmem:s2+$0x20]  }
0x4c: {  	v17 =	vadd.f32 v6, v11;
	v12 =	vadd.f32 v10, v12;
	v6 =	vld [tilespmem:s2+$0x30]  }
0x4d: {  	v11 =	vadd.f32 v14, v5;
	v10 =	vadd.f32 v16, v9;
	v5 =	vld [tilespmem:s2+$0x60]  }
0x4e: {  	v13 =	vadd.f32 v13, v17;
	v12 =	vadd.f32 v15, v12;
	v9 =	vld [tilespmem:s2+$0x70];
	s2 =	sadd.s32 $0x100, s2  }
0x4f: {  	_ = 	snop  }
0x50: {  	v7 =	vadd.f32 v7, v11;
	v2 =	vadd.f32 v2, v13  }
0x51: {  	v8 =	vadd.f32 v8, v10;
	v3 =	vadd.f32 v3, v12  }
0x52: {  	s2 =	sshll.u32 s7, $0x8;
	v4 =	vadd.f32 v4, v7;
	v0 =	vadd.f32 v0, v2  }
0x53: {  	s31 =	sand.u32 $0x3FFFFF00, s2;
	v2 =	vadd.f32 v6, v8;
	v1 =	vadd.f32 v1, v3  }
0x54: {  	v3 =	vadd.f32 v5, v4;
	[tilespmem:s31+$0x12C00] =	vst v0  }
0x55: {  	v0 =	vadd.f32 v9, v2;
	[tilespmem:s31+$0x12C10] =	vst v1  }
0x56: {  	[tilespmem:s31+$0x12C20] =	vst v3  }
0x57: {  	[tilespmem:s31+$0x12C30] =	vst v0  }
0x58: {  	_ =	swait.ge [sflag:s26], $0x3200  }
0x59: {  	s10 =	simm.s32 @!p0 $0x80;
	[sflag:s26] =	ssyncset.done $0x0  }
0x5a: {  	s12 =	simm.s32 @!p0 $0x9600;
	s2 =	sadd.s32 @!p0 $0x3E8, s1;
	[sflag:s26] =	ssyncadd.s32 $0xFFFFCE00  }
0x5b: {  	[tilespmem:s12], [sflag:$0x2] =	stream.indirect.gather @!p0 [hbm4b:s4+s10], $0x40, s2, s10, $0xb8;
	[tilespmem:$0x14C00] =	vst v63  }
0x5c: {  	s2 =	sadd.s32 @!p0 $0x468, s1;
	s10 =	simm.s32 @!p0 $0x48;
	s12 =	simm.s32 @!p0 $0xB600  }
0x5d: {  	[tilespmem:s12], [sflag:$0x2] =	stream.indirect.gather @!p0 [hbm4b:s4+s10], $0x40, s2, s10, $0xb8;
	[tilespmem:$0x14C00] =	vst v63  }
0x5e: {  	s12 =	simm.s32 $0x9680  }
0x5f: {  	v0 =	vld [tilespmem:s12+$0x40]  }
0x60: {  	v1 =	vld [tilespmem:s12+$0x50]  }
0x61: {  	v2 =	vld [tilespmem:s12+$0x0]  }
0x62: {  	v3 =	vld [tilespmem:s12+$0x10]  }
0x63: {  	v9 =	vld [tilespmem:s12+$0xFFFFFFC0]  }
0x64: {  	v12 =	vld [tilespmem:s12+$0xFFFFFFD0]  }
0x65: {  	v5 =	vld [tilespmem:s12+$0xFFFFFF80]  }
0x66: {  	v7 =	vld [tilespmem:s12+$0xFFFFFF90]  }
0x67: {  	v10 =	vld [tilespmem:s12+$0xFFFFFFA0]  }
0x68: {  	v13 =	vld [tilespmem:s12+$0xFFFFFFB0]  }
0x69: {  	v6 =	vld [tilespmem:s12+$0xFFFFFFE0]  }
0x6a: {  	v8 =	vld [tilespmem:s12+$0xFFFFFFF0]  }
0x6b: {  	v14 =	vimm.f32 $0.0e+00;
	v4 =	vld [tilespmem:s12+$0x20]  }
0x6c: {  	v15 =	vadd.f32 v5, v14;
	v16 =	vadd.f32 v7, v14;
	v7 =	vld [tilespmem:s12+$0x30]  }
0x6d: {  	v11 =	vadd.f32 v10, v14;
	v10 =	vadd.f32 v13, v14;
	v5 =	vld [tilespmem:s12+$0x60]  }
0x6e: {  	s2 =	simm.s32 $0x0;
	s10 =	simm.s32 $0x9780;
	v13 =	vadd.f32 v9, v15;
	v12 =	vadd.f32 v12, v16;
	v9 =	vld [tilespmem:s12+$0x70]  }
.LBB2_6:
0x6f: {  	v14 =	vld [tilespmem:s10+$0x40];
	v6 =	vadd.f32 v6, v11;
	v8 =	vadd.f32 v8, v10  }
0x70: {  	v10 =	vld [tilespmem:s10+$0x50];
	v11 =	vadd.f32 v2, v13;
	v12 =	vadd.f32 v3, v12  }
0x71: {  	v2 =	vld [tilespmem:s10+$0x0];
	v4 =	vadd.f32 v4, v6;
	v6 =	vadd.f32 v7, v8  }
0x72: {  	v3 =	vld [tilespmem:s10+$0x10];
	v7 =	vadd.f32 v0, v11;
	v11 =	vadd.f32 v1, v12  }
0x73: {  	v12 =	vld [tilespmem:s10+$0xFFFFFFC0];
	v5 =	vadd.f32 v5, v4;
	v9 =	vadd.f32 v9, v6  }
0x74: {  	v15 =	vld [tilespmem:s10+$0xFFFFFFD0];
	v0 =	vmov v14  }
0x75: {  	v13 =	vld [tilespmem:s10+$0xFFFFFF80];
	v1 =	vmov v10  }
0x76: {  	v10 =	vld [tilespmem:s10+$0xFFFFFF90]  }
0x77: {  	v14 =	vld [tilespmem:s10+$0xFFFFFFA0]  }
0x78: {  	s2 =	sadd.s32 $0x4, s2;
	v16 =	vld [tilespmem:s10+$0xFFFFFFB0]  }
0x79: {  	p1 =	slt.u32 s2, $0xC4;
	v6 =	vld [tilespmem:s10+$0xFFFFFFE0]  }
.Ltmp1:
0x7a: {  	v8 =	vld [tilespmem:s10+$0xFFFFFFF0];
	(pc) =	sbr.rel @p1 .LBB2_6-.Ltmp1, $4  }
0x7b: {  	v4 =	vld [tilespmem:s10+$0x20]  }
0x7c: {  	v13 =	vadd.f32 v13, v7;
	v17 =	vadd.f32 v10, v11;
	v7 =	vld [tilespmem:s10+$0x30]  }
0x7d: {  	v11 =	vadd.f32 v14, v5;
	v10 =	vadd.f32 v16, v9;
	v5 =	vld [tilespmem:s10+$0x60]  }
0x7e: {  	v13 =	vadd.f32 v12, v13;
	v12 =	vadd.f32 v15, v17;
	v9 =	vld [tilespmem:s10+$0x70];
	s10 =	sadd.s32 $0x100, s10  }
0x7f: {  	_ = 	snop  }
0x80: {  	v6 =	vadd.f32 v6, v11;
	v2 =	vadd.f32 v2, v13  }
0x81: {  	v8 =	vadd.f32 v8, v10;
	v3 =	vadd.f32 v3, v12  }
0x82: {  	v4 =	vadd.f32 v4, v6;
	v0 =	vadd.f32 v0, v2  }
0x83: {  	v2 =	vadd.f32 v7, v8;
	v1 =	vadd.f32 v1, v3  }
0x84: {  	v3 =	vadd.f32 v5, v4;
	[tilespmem:s31+$0x12C40] =	vst v0  }
0x85: {  	v0 =	vadd.f32 v9, v2;
	[tilespmem:s31+$0x12C50] =	vst v1  }
0x86: {  	[tilespmem:s31+$0x12C60] =	vst v3  }
0x87: {  	[tilespmem:s31+$0x12C70] =	vst v0  }
0x88: {  	_ =	swait.ge [sflag:s28], $0x3200  }
0x89: {  	s2 =	sadd.s32 @!p0 $0x4B0, s1;
	[sflag:s28] =	ssyncset.done $0x0  }
0x8a: {  	s10 =	simm.s32 @!p0 $0x80;
	s12 =	simm.s32 @!p0 $0xC800;
	[sflag:s28] =	ssyncadd.s32 $0xFFFFCE00  }
0x8b: {  	[tilespmem:s12], [sflag:$0x3] =	stream.indirect.gather @!p0 [hbm4b:s4+s10], $0x40, s2, s10, $0xb8;
	[tilespmem:$0x14C00] =	vst v63  }
0x8c: {  	s2 =	sadd.s32 @!p0 $0x530, s1;
	s10 =	simm.s32 @!p0 $0x48;
	s12 =	simm.s32 @!p0 $0xE800  }
0x8d: {  	[tilespmem:s12], [sflag:$0x3] =	stream.indirect.gather @!p0 [hbm4b:s4+s10], $0x40, s2, s10, $0xb8;
	[tilespmem:$0x14C00] =	vst v63  }
0x8e: {  	s12 =	simm.s32 $0xC880  }
0x8f: {  	v0 =	vld [tilespmem:s12+$0x40]  }
0x90: {  	v1 =	vld [tilespmem:s12+$0x50]  }
0x91: {  	v2 =	vld [tilespmem:s12+$0x0]  }
0x92: {  	v3 =	vld [tilespmem:s12+$0x10]  }
0x93: {  	v9 =	vld [tilespmem:s12+$0xFFFFFFC0]  }
0x94: {  	v12 =	vld [tilespmem:s12+$0xFFFFFFD0]  }
0x95: {  	v5 =	vld [tilespmem:s12+$0xFFFFFF80]  }
0x96: {  	v7 =	vld [tilespmem:s12+$0xFFFFFF90]  }
0x97: {  	v10 =	vld [tilespmem:s12+$0xFFFFFFA0]  }
0x98: {  	v13 =	vld [tilespmem:s12+$0xFFFFFFB0]  }
0x99: {  	v6 =	vld [tilespmem:s12+$0xFFFFFFE0]  }
0x9a: {  	v8 =	vld [tilespmem:s12+$0xFFFFFFF0]  }
0x9b: {  	v14 =	vimm.f32 $0.0e+00;
	v4 =	vld [tilespmem:s12+$0x20]  }
0x9c: {  	v15 =	vadd.f32 v5, v14;
	v16 =	vadd.f32 v7, v14;
	v7 =	vld [tilespmem:s12+$0x30]  }
0x9d: {  	v11 =	vadd.f32 v10, v14;
	v10 =	vadd.f32 v13, v14;
	v5 =	vld [tilespmem:s12+$0x60]  }
0x9e: {  	s2 =	simm.s32 $0x0;
	s10 =	simm.s32 $0xC980;
	v13 =	vadd.f32 v9, v15;
	v12 =	vadd.f32 v12, v16;
	v9 =	vld [tilespmem:s12+$0x70]  }
.LBB2_8:
0x9f: {  	v14 =	vld [tilespmem:s10+$0x40];
	v6 =	vadd.f32 v6, v11;
	v8 =	vadd.f32 v8, v10  }
0xa0: {  	v10 =	vld [tilespmem:s10+$0x50];
	v11 =	vadd.f32 v2, v13;
	v12 =	vadd.f32 v3, v12  }
0xa1: {  	v2 =	vld [tilespmem:s10+$0x0];
	v4 =	vadd.f32 v4, v6;
	v6 =	vadd.f32 v7, v8  }
0xa2: {  	v3 =	vld [tilespmem:s10+$0x10];
	v7 =	vadd.f32 v0, v11;
	v11 =	vadd.f32 v1, v12  }
0xa3: {  	v12 =	vld [tilespmem:s10+$0xFFFFFFC0];
	v5 =	vadd.f32 v5, v4;
	v9 =	vadd.f32 v9, v6  }
0xa4: {  	v15 =	vld [tilespmem:s10+$0xFFFFFFD0];
	v0 =	vmov v14  }
0xa5: {  	v13 =	vld [tilespmem:s10+$0xFFFFFF80];
	v1 =	vmov v10  }
0xa6: {  	v10 =	vld [tilespmem:s10+$0xFFFFFF90]  }
0xa7: {  	v14 =	vld [tilespmem:s10+$0xFFFFFFA0]  }
0xa8: {  	s2 =	sadd.s32 $0x4, s2;
	v16 =	vld [tilespmem:s10+$0xFFFFFFB0]  }
0xa9: {  	p1 =	slt.u32 s2, $0xC4;
	v6 =	vld [tilespmem:s10+$0xFFFFFFE0]  }
.Ltmp2:
0xaa: {  	v8 =	vld [tilespmem:s10+$0xFFFFFFF0];
	(pc) =	sbr.rel @p1 .LBB2_8-.Ltmp2, $4  }
0xab: {  	v4 =	vld [tilespmem:s10+$0x20]  }
0xac: {  	v13 =	vadd.f32 v13, v7;
	v17 =	vadd.f32 v10, v11;
	v7 =	vld [tilespmem:s10+$0x30]  }
0xad: {  	v11 =	vadd.f32 v14, v5;
	v10 =	vadd.f32 v16, v9;
	v5 =	vld [tilespmem:s10+$0x60]  }
0xae: {  	v13 =	vadd.f32 v12, v13;
	v12 =	vadd.f32 v15, v17;
	v9 =	vld [tilespmem:s10+$0x70];
	s10 =	sadd.s32 $0x100, s10  }
0xaf: {  	_ = 	snop  }
0xb0: {  	v6 =	vadd.f32 v6, v11;
	v2 =	vadd.f32 v2, v13  }
0xb1: {  	v8 =	vadd.f32 v8, v10;
	v3 =	vadd.f32 v3, v12  }
0xb2: {  	v4 =	vadd.f32 v4, v6;
	v0 =	vadd.f32 v0, v2  }
0xb3: {  	v2 =	vadd.f32 v7, v8;
	v1 =	vadd.f32 v1, v3  }
0xb4: {  	v3 =	vadd.f32 v5, v4;
	[tilespmem:s31+$0x12C80] =	vst v0  }
0xb5: {  	v0 =	vadd.f32 v9, v2;
	[tilespmem:s31+$0x12C90] =	vst v1  }
0xb6: {  	[tilespmem:s31+$0x12CA0] =	vst v3  }
0xb7: {  	[tilespmem:s31+$0x12CB0] =	vst v0  }
0xb8: {  	_ =	swait.ge [sflag:s29], $0x3200  }
0xb9: {  	s2 =	sadd.s32 @!p0 $0x578, s1;
	s10 =	simm.s32 @!p0 $0x80;
	[sflag:s29] =	ssyncset.done $0x0  }
0xba: {  	s12 =	simm.s32 @!p0 $0xFA00;
	s1 =	sadd.s32 @!p0 $0x5F8, s1;
	[sflag:s29] =	ssyncadd.s32 $0xFFFFCE00  }
0xbb: {  	[tilespmem:s12], [sflag:$0x4] =	stream.indirect.gather @!p0 [hbm4b:s4+s10], $0x40, s2, s10, $0xb8;
	[tilespmem:$0x14C00] =	vst v63  }
0xbc: {  	s2 =	simm.s32 @!p0 $0x48;
	s10 =	simm.s32 @!p0 $0x11A00;
	s12 =	simm.s32 $0xFA80  }
0xbd: {  	[tilespmem:s10], [sflag:$0x4] =	stream.indirect.gather @!p0 [hbm4b:s4+s2], $0x40, s1, s2, $0xb8;
	[tilespmem:$0x14C00] =	vst v63  }
0xbe: {  	v0 =	vld [tilespmem:s12+$0x40]  }
0xbf: {  	v1 =	vld [tilespmem:s12+$0x50]  }
0xc0: {  	v2 =	vld [tilespmem:s12+$0x0]  }
0xc1: {  	v3 =	vld [tilespmem:s12+$0x10]  }
0xc2: {  	v9 =	vld [tilespmem:s12+$0xFFFFFFC0]  }
0xc3: {  	v12 =	vld [tilespmem:s12+$0xFFFFFFD0]  }
0xc4: {  	v5 =	vld [tilespmem:s12+$0xFFFFFF80]  }
0xc5: {  	v7 =	vld [tilespmem:s12+$0xFFFFFF90]  }
0xc6: {  	v10 =	vld [tilespmem:s12+$0xFFFFFFA0]  }
0xc7: {  	v13 =	vld [tilespmem:s12+$0xFFFFFFB0]  }
0xc8: {  	v6 =	vld [tilespmem:s12+$0xFFFFFFE0]  }
0xc9: {  	v8 =	vld [tilespmem:s12+$0xFFFFFFF0]  }
0xca: {  	v14 =	vimm.f32 $0.0e+00;
	v4 =	vld [tilespmem:s12+$0x20]  }
0xcb: {  	v15 =	vadd.f32 v5, v14;
	v16 =	vadd.f32 v7, v14;
	v7 =	vld [tilespmem:s12+$0x30]  }
0xcc: {  	v11 =	vadd.f32 v10, v14;
	v10 =	vadd.f32 v13, v14;
	v5 =	vld [tilespmem:s12+$0x60]  }
0xcd: {  	s1 =	simm.s32 $0x0;
	s2 =	simm.s32 $0xFB80;
	v13 =	vadd.f32 v9, v15;
	v12 =	vadd.f32 v12, v16;
	v9 =	vld [tilespmem:s12+$0x70]  }
.LBB2_10:
0xce: {  	v14 =	vld [tilespmem:s2+$0x40];
	v6 =	vadd.f32 v6, v11;
	v8 =	vadd.f32 v8, v10  }
0xcf: {  	v10 =	vld [tilespmem:s2+$0x50];
	v11 =	vadd.f32 v2, v13;
	v12 =	vadd.f32 v3, v12  }
0xd0: {  	v2 =	vld [tilespmem:s2+$0x0];
	v4 =	vadd.f32 v4, v6;
	v6 =	vadd.f32 v7, v8  }
0xd1: {  	v3 =	vld [tilespmem:s2+$0x10];
	v7 =	vadd.f32 v0, v11;
	v11 =	vadd.f32 v1, v12  }
0xd2: {  	v12 =	vld [tilespmem:s2+$0xFFFFFFC0];
	v5 =	vadd.f32 v5, v4;
	v9 =	vadd.f32 v9, v6  }
0xd3: {  	v15 =	vld [tilespmem:s2+$0xFFFFFFD0];
	v0 =	vmov v14  }
0xd4: {  	v13 =	vld [tilespmem:s2+$0xFFFFFF80];
	v1 =	vmov v10  }
0xd5: {  	v10 =	vld [tilespmem:s2+$0xFFFFFF90]  }
0xd6: {  	v14 =	vld [tilespmem:s2+$0xFFFFFFA0]  }
0xd7: {  	s1 =	sadd.s32 $0x4, s1;
	v16 =	vld [tilespmem:s2+$0xFFFFFFB0]  }
0xd8: {  	p0 =	slt.u32 s1, $0xC4;
	v6 =	vld [tilespmem:s2+$0xFFFFFFE0]  }
.Ltmp3:
0xd9: {  	v8 =	vld [tilespmem:s2+$0xFFFFFFF0];
	(pc) =	sbr.rel @p0 .LBB2_10-.Ltmp3, $4  }
0xda: {  	v4 =	vld [tilespmem:s2+$0x20]  }
0xdb: {  	v13 =	vadd.f32 v13, v7;
	v17 =	vadd.f32 v10, v11;
	v7 =	vld [tilespmem:s2+$0x30]  }
0xdc: {  	v11 =	vadd.f32 v14, v5;
	v10 =	vadd.f32 v16, v9;
	v5 =	vld [tilespmem:s2+$0x60]  }
0xdd: {  	v13 =	vadd.f32 v12, v13;
	v12 =	vadd.f32 v15, v17;
	v9 =	vld [tilespmem:s2+$0x70];
	s2 =	sadd.s32 $0x100, s2  }
0xde: {  	_ = 	snop  }
0xdf: {  	v6 =	vadd.f32 v6, v11;
	v2 =	vadd.f32 v2, v13  }
0xe0: {  	v8 =	vadd.f32 v8, v10;
	s7 =	sadd.s32 $0x1, s7;
	v3 =	vadd.f32 v3, v12  }
0xe1: {  	p0 =	sne.s32 s7, $0x20;
	v4 =	vadd.f32 v4, v6;
	v0 =	vadd.f32 v0, v2  }
.Ltmp4:
0xe2: {  	v61 =	vadd.f32 v7, v8;
	v1 =	vadd.f32 v1, v3;
	(pc) =	sbr.rel @p0 .LBB2_3-.Ltmp4, $4  }
0xe3: {  	v62 =	vadd.f32 v5, v4;
	[tilespmem:s31+$0x12CC0] =	vst v0  }
0xe4: {  	v63 =	vadd.f32 v9, v61;
	[tilespmem:s31+$0x12CD0] =	vst v1  }
0xe5: {  	[tilespmem:s31+$0x12CE0] =	vst v62  }
0xe6: {  	[tilespmem:s31+$0x12CF0] =	vst v63  }
0xe7: {  	s0 =	sadd.s32 $0x1, s0  }
0xe8: {  	s1 =	sshll.u32 s3, $0x3;
	p0 =	sne.s32 s0, $0x4  }
.Ltmp5:
0xe9: {  	s2 =	simm.s32 $0x0;
	s1 =	sadd.s32 s5, s1;
	(pc) =	sbr.rel @p0 .LBB2_2-.Ltmp5, $4  }
0xea: {  	[hbm4b:s1+s2] =	stream.linear.scatter [tilespmem:s30], [sflag:$0x5], $0x2000, $0x38;
	[tilespmem:$0x14C00] =	vst v63  }
0xeb: {  	_ =	swait.ge [sflag:s8], $0x2000  }
0xec: {  	[sflag:s8] =	ssyncset.done $0x0  }
0xed: {  	[sflag:s8] =	ssyncadd.s32 $0xFFFFE000  }
0xee: {  	s1 =	rddreg [dreg:$0x4]  }
0xef: {  	s0 =	rddreg [dreg:$0x3];
	s1 =	sadd.s32 $0x1, s1  }
0xf0: {  	p0 =	sne.s32 s1, s0  }
.Ltmp6:
0xf1: {  	_ = 	snop;
	(pc) =	sbr.rel @p0 .LBB2_1-.Ltmp6, $1  }
0xf2: {  	_ =	sdelay $0x3  }
0xf3: {  	_ =	sfence.sel $0x180000  }
0xf4: {  	[bflag:$0x0] =	sbarrier.arrive $0xFFFF  }
0xf5: {  	_ =	strace $0x90000047  }
0xf6: {  	s0 =	stileid.u32;
	[bflag:$0x2] =	sbarrier.arrive $0xFFFF  }
0xf7: {  	p0 =	sne.s32 s0, $0x0;
	s0 =	rddreg [dreg:$0x2]  }
0xf8: {  	s0 =	sadd.s32 @!p0 $0x100000, s0  }
0xf9: {  	[sflag:s0] =	ssyncadd.tile.s32 @!p0 $0x1;
	_ =	shalt  }
.Lfunc_end2:
_tile_overlayer_lowered:
.L_overlay_start_2:
0xfa: {  	(tag) =	ssettag $0x2  }
0xfb: {  	s0 =	rddreg [dreg:$0x0];
	s2 =	stileid.u32  }
0xfc: {  	s1 =	rddreg [dreg:$0x1];
	p0 =	sne.s32 s2, $0x0  }
0xfd: {  	s3 =	rddreg [dreg:$0x2];
	[bflag:$0x3] =	sbarrier.arrive $0xFFFF;
	s2 =	simm.s32 @!p0 $0x1C05  }
0xfe: {  	[timem:s3], [sflag:s2] =	dma.local @!p0 [hbm:s0], s1  }
0xff: {  	s0 =	simm.s32 @!p0 $0x5  }
0x100: {  	_ =	swait.ge @!p0 [sflag:s0], s1  }
0x101: {  	s1 =	ssub.s32 @!p0 $0x0, s1;
	[sflag:s0] =	ssyncset.done @!p0 $0x0  }
0x102: {  	[sflag:s0] =	ssyncadd.s32 @!p0 s1  }
0x103: {  	[bflag:$0x3] =	sbarrier.arrive $0xFFFF  }
0x104: {  	_ =	shalt  }

</sc_bundles>
